<compile_context>
chip_gen: v7x
topology: tpu7x:2x2x1
jax: 0.10.2.dev20260603
libtpu: 0.0.44.dev20260713+nightly
codegen_flags: <defaults>
</compile_context>

<pallas_src>
import jax
import jax.numpy as jnp
from jax import lax
from jax.experimental import pallas as pl
from jax.experimental.pallas import tpu as pltpu
from jax.experimental.pallas import tpu_sc as plsc

BS, TS = 1024, 50
N_TOK = BS * TS
EMB = 32
D_OUT = 1056

NW = 32
TOK_W = N_TOK // NW
CHUNK = 80
NCH_P = TOK_W * 5 // CHUNK
NCH_C = TOK_W // CHUNK
ZB = 100
NZG = TOK_W // ZB
NSLOT = 12
LAG = 6


def _zero_slot(rows_v, s):
    z16 = jnp.zeros((16,), jnp.float32)

    def st(i, carry):
        rows_v[s, i, pl.ds(0, 16)] = z16
        rows_v[s, i, pl.ds(16, 16)] = z16
        return carry

    lax.fori_loop(0, CHUNK, st, 0)


def _branch(table_hbm, idx_v, out, rows_v, gsem, ssem, nch, col0, t0):

    def wr_dst(c):
        tg = t0 + lax.rem(c, NCH_C) * CHUNK
        col = col0 + lax.div(c, NCH_C) * EMB
        return out.at[pl.ds(tg, CHUNK), pl.ds(col, EMB)]

    def wr_src(s):
        return rows_v.at[s]

    def has_pad(c):
        m = jnp.int32(1)
        offs = list(range(0, CHUNK - 15, 16))
        if offs[-1] + 16 < CHUNK:
            offs.append(CHUNK - 16)
        for o in offs:
            v = idx_v[c, pl.ds(o, 16)]
            m = jnp.minimum(m, lax.reduce_min(v, (0,)))
        return m == 0

    def step(c, carry):
        s = lax.rem(c, NSLOT)

        @pl.when(c < nch)
        def _():
            @pl.when(c >= NSLOT)
            def _():
                pltpu.make_async_copy(
                    wr_src(s), wr_dst(c - NSLOT), ssem.at[s]
                ).wait()

            @pl.when(has_pad(c))
            def _():
                _zero_slot(rows_v, s)

            pltpu.async_copy(
                table_hbm.at[plsc.Indices(idx_v.at[c], ignored_value=0)],
                rows_v.at[s],
                gsem.at[s],
            )

        @pl.when(c >= LAG)
        def _():
            d = c - LAG
            sd = lax.rem(d, NSLOT)
            pltpu.make_async_copy(
                table_hbm.at[plsc.Indices(idx_v.at[d], ignored_value=0)],
                rows_v.at[sd],
                gsem.at[sd],
            ).wait()
            pltpu.async_copy(wr_src(sd), wr_dst(d), ssem.at[sd])

        return carry

    lax.fori_loop(0, nch + LAG, step, 0)

    def drain(i, carry):
        c = nch - NSLOT + i
        s = lax.rem(c, NSLOT)
        pltpu.make_async_copy(wr_src(s), wr_dst(c), ssem.at[s]).wait()
        return carry

    lax.fori_loop(0, NSLOT, drain, 0)


def _body(
    pW,
    sW,
    cW,
    pidx_h,
    sidx_h,
    cidx_h,
    zbuf_h,
    out,
    pidx_v,
    sidx_v,
    cidx_v,
    zbuf_v,
    rows_v,
    lsem,
    zsem,
    gsem,
    ssem,
):
    w = lax.axis_index("s") * 2 + lax.axis_index("c")
    t0 = w * TOK_W

    pltpu.async_copy(zbuf_h, zbuf_v, lsem).wait()

    def zero_group(g, carry):
        tg = t0 + g * ZB
        pltpu.async_copy(zbuf_v.at[:, pl.ds(0, 160)], out.at[pl.ds(tg, ZB), pl.ds(0, 160)], zsem)
        pltpu.async_copy(zbuf_v, out.at[pl.ds(tg, ZB), pl.ds(320, 320)], zsem)
        pltpu.async_copy(zbuf_v.at[:, pl.ds(0, 192)], out.at[pl.ds(tg, ZB), pl.ds(800, 192)], zsem)
        pltpu.async_copy(zbuf_v.at[:, pl.ds(0, 32)], out.at[pl.ds(tg, ZB), pl.ds(1024, 32)], zsem)
        return carry

    lax.fori_loop(0, NZG, zero_group, 0)

    for k in range(5):
        pltpu.async_copy(
            pidx_h.at[pl.ds(k * (N_TOK // CHUNK) + w * NCH_C, NCH_C), :],
            pidx_v.at[pl.ds(k * NCH_C, NCH_C), :],
            lsem,
        )
        pltpu.async_copy(
            sidx_h.at[pl.ds(k * (N_TOK // CHUNK) + w * NCH_C, NCH_C), :],
            sidx_v.at[pl.ds(k * NCH_C, NCH_C), :],
            lsem,
        )
    pltpu.async_copy(cidx_h.at[pl.ds(w * NCH_C, NCH_C), :], cidx_v, lsem)
    for k in range(5):
        pltpu.make_async_copy(
            pidx_h.at[pl.ds(k * (N_TOK // CHUNK) + w * NCH_C, NCH_C), :],
            pidx_v.at[pl.ds(k * NCH_C, NCH_C), :],
            lsem,
        ).wait()
        pltpu.make_async_copy(
            sidx_h.at[pl.ds(k * (N_TOK // CHUNK) + w * NCH_C, NCH_C), :],
            sidx_v.at[pl.ds(k * NCH_C, NCH_C), :],
            lsem,
        ).wait()
    pltpu.make_async_copy(cidx_h.at[pl.ds(w * NCH_C, NCH_C), :], cidx_v, lsem).wait()

    _branch(pW, pidx_v, out, rows_v, gsem, ssem, NCH_P, 160, t0)
    _branch(sW, sidx_v, out, rows_v, gsem, ssem, NCH_P, 640, t0)
    _branch(cW, cidx_v, out, rows_v, gsem, ssem, NCH_C, 992, t0)

    def zero_drain(g, carry):
        tg = t0 + g * ZB
        pltpu.make_async_copy(zbuf_v.at[:, pl.ds(0, 160)], out.at[pl.ds(tg, ZB), pl.ds(0, 160)], zsem).wait()
        pltpu.make_async_copy(zbuf_v, out.at[pl.ds(tg, ZB), pl.ds(320, 320)], zsem).wait()
        pltpu.make_async_copy(zbuf_v.at[:, pl.ds(0, 192)], out.at[pl.ds(tg, ZB), pl.ds(800, 192)], zsem).wait()
        pltpu.make_async_copy(zbuf_v.at[:, pl.ds(0, 32)], out.at[pl.ds(tg, ZB), pl.ds(1024, 32)], zsem).wait()
        return carry

    lax.fori_loop(0, NZG, zero_drain, 0)


@jax.jit
def _run(pW, sW, cW, pidx, sidx, cidx, zbuf):
    mesh = plsc.VectorSubcoreMesh(core_axis_name="c", subcore_axis_name="s")
    f = pl.kernel(
        _body,
        out_type=jax.ShapeDtypeStruct((N_TOK, D_OUT), jnp.float32),
        mesh=mesh,
        scratch_types=[
            pltpu.VMEM((NCH_P, CHUNK), jnp.int32),
            pltpu.VMEM((NCH_P, CHUNK), jnp.int32),
            pltpu.VMEM((NCH_C, CHUNK), jnp.int32),
            pltpu.VMEM((ZB, 320), jnp.float32),
            pltpu.VMEM((NSLOT, CHUNK, EMB), jnp.float32),
            pltpu.SemaphoreType.DMA,
            pltpu.SemaphoreType.DMA,
            pltpu.SemaphoreType.DMA((NSLOT,)),
            pltpu.SemaphoreType.DMA((NSLOT,)),
        ],
        compiler_params=pltpu.CompilerParams(
            use_tc_tiling_on_sc=False, needs_layout_passes=False
        ),
    )
    return f(pW, sW, cW, pidx, sidx, cidx, zbuf)


def kernel(prefixes_W, suffixes_W, caps_W, words, prefixes, suffixes, caps):
    del words
    pidx = prefixes.T.reshape(N_TOK * 5 // CHUNK, CHUNK)
    sidx = suffixes.T.reshape(N_TOK * 5 // CHUNK, CHUNK)
    cidx = caps.reshape(N_TOK // CHUNK, CHUNK)
    zbuf = jnp.zeros((ZB, 320), jnp.float32)
    out = _run(prefixes_W, suffixes_W, caps_W, pidx, sidx, cidx, zbuf)
    return out.reshape(BS, TS, D_OUT)

# --- scband reference (transcript-rebuilt; emitter-appended) ---
"""Pipeline reference for scband-hand-crafted-43422119363253 (READ-ONLY COPY).

The authoritative reference and input builder live on the scoring server;
editing this copy changes nothing except your own understanding.
"""

import jax, jax.numpy as jnp
import numpy as np

BS, TS = 1024, 50
N_TOK = BS * TS
PREFIX_VOCAB = 100000
SUFFIX_VOCAB = 100000
CAPS_VOCAB = 8
PREFIX_EMB = 32
SUFFIX_EMB = 32
CAPS_EMB = 32
PREFIX_LEN = 5  # prefix_max_length - prefix_min_length + 1
SUFFIX_LEN = 5
CAPS_LEN = 1


def setup_inputs(seed: int = 0) -> dict:
    key = jax.random.key(seed)
    ks = jax.random.split(key, 7)
    words = jax.random.randint(ks[0], (BS, TS), 0, PREFIX_VOCAB, dtype=jnp.int32)
    prefixes = jax.random.randint(ks[1], (N_TOK, PREFIX_LEN), 0, PREFIX_VOCAB, dtype=jnp.int32)
    suffixes = jax.random.randint(ks[2], (N_TOK, SUFFIX_LEN), 0, SUFFIX_VOCAB, dtype=jnp.int32)
    caps = jax.random.randint(ks[3], (N_TOK, CAPS_LEN), 0, CAPS_VOCAB, dtype=jnp.int32)
    prefixes_W = jax.random.normal(ks[4], (PREFIX_VOCAB, PREFIX_EMB), dtype=jnp.float32) * 0.1
    suffixes_W = jax.random.normal(ks[5], (SUFFIX_VOCAB, SUFFIX_EMB), dtype=jnp.float32) * 0.1
    caps_W = jax.random.normal(ks[6], (CAPS_VOCAB, CAPS_EMB), dtype=jnp.float32) * 0.1
    return {
        "prefixes_W": prefixes_W,
        "suffixes_W": suffixes_W,
        "caps_W": caps_W,
        "words": words,
        "prefixes": prefixes,
        "suffixes": suffixes,
        "caps": caps,
    }


def reference(prefixes_W, suffixes_W, caps_W, words, prefixes, suffixes, caps):
    bs, ts = words.shape
    feats = []

    # prefixes branch (nn.Embedding with padding_idx=0)
    pW = prefixes_W.at[0].set(0.0)
    h_pre = jnp.take(pW, prefixes, axis=0)  # [N_TOK, PREFIX_LEN, PREFIX_EMB]
    z = jnp.zeros((h_pre.shape[0], PREFIX_LEN, h_pre.shape[2]), dtype=h_pre.dtype)
    h_pre = jnp.concatenate((z, h_pre, z), axis=1)
    h_pre = h_pre.reshape(bs, ts, -1)
    feats.append(h_pre)

    # suffixes branch
    sW = suffixes_W.at[0].set(0.0)
    h_suf = jnp.take(sW, suffixes, axis=0)  # [N_TOK, SUFFIX_LEN, SUFFIX_EMB]
    z = jnp.zeros((h_suf.shape[0], SUFFIX_LEN, h_suf.shape[2]), dtype=h_suf.dtype)
    h_suf = jnp.concatenate((z, h_suf, z), axis=1)
    h_suf = h_suf.reshape(bs, ts, -1)
    feats.append(h_suf)

    # caps branch (caps_length = 1)
    cW = caps_W.at[0].set(0.0)
    h_cap = jnp.take(cW, caps, axis=0)  # [N_TOK, 1, CAPS_EMB]
    z = jnp.zeros((h_cap.shape[0], CAPS_LEN, h_cap.shape[2]), dtype=h_cap.dtype)
    h_cap = jnp.concatenate((z, h_cap, z), axis=1)
    h_cap = h_cap.reshape(bs, ts, -1)
    feats.append(h_cap)

    h = jnp.concatenate(feats, axis=-1)
    return h

if __name__ == "__main__":
    import jax
    _d = setup_inputs()
    print(jax.jit(kernel)(*tuple(_d.values())))

</pallas_src>

<mosaic_0001>
#map = affine_map<(d0, d1) -> (0, 0)>
module attributes {stable_mosaic.version = 14 : i64} {
  func.func @_body(%arg0: i32, %arg1: i32, %arg2: memref<100000x32xf32, #tpu.memory_space<hbm>>, %arg3: memref<100000x32xf32, #tpu.memory_space<hbm>>, %arg4: memref<8x32xf32, #tpu.memory_space<hbm>>, %arg5: memref<3200x80xi32, #tpu.memory_space<hbm>>, %arg6: memref<3200x80xi32, #tpu.memory_space<hbm>>, %arg7: memref<640x80xi32, #tpu.memory_space<hbm>>, %arg8: memref<100x320xf32, #tpu.memory_space<hbm>>, %arg9: memref<51200x1056xf32, #tpu.memory_space<hbm>>, %arg10: memref<100x80xi32, #tpu.memory_space<vmem>>, %arg11: memref<100x80xi32, #tpu.memory_space<vmem>>, %arg12: memref<20x80xi32, #tpu.memory_space<vmem>>, %arg13: memref<100x320xf32, #tpu.memory_space<vmem>>, %arg14: memref<12x80x32xf32, #tpu.memory_space<vmem>>, %arg15: memref<!tpu.dma_semaphore, #tpu.memory_space<semaphore_mem>>, %arg16: memref<!tpu.dma_semaphore, #tpu.memory_space<semaphore_mem>>, %arg17: memref<12x!tpu.dma_semaphore, #tpu.memory_space<semaphore_mem>>, %arg18: memref<12x!tpu.dma_semaphore, #tpu.memory_space<semaphore_mem>>) attributes {dimension_semantics = [#tpu.dimension_semantics<core_parallel>, #tpu.dimension_semantics<subcore_parallel>], iteration_bounds = array<i64: 2, 16>, scalar_prefetch = 0 : i64, scratch_operands = 9 : i64, tpu.core_type = #tpu.core_type<sc_vector_subcore>, window_params = [{transform_indices = #map}, {transform_indices = #map}, {transform_indices = #map}, {transform_indices = #map}, {transform_indices = #map}, {transform_indices = #map}, {transform_indices = #map}, {transform_indices = #map}]} {
    %mul3A = arith.constant 2 : i32
    %mul3A_0 = arith.muli %arg1, %mul3A : i32
    %add3A = arith.addi %mul3A_0, %arg0 : i32
    %mul3A_1 = arith.constant 1600 : i32
    %mul3A_2 = arith.muli %add3A, %mul3A_1 : i32
    tpu.enqueue_dma source(%arg8 : memref<100x320xf32, #tpu.memory_space<hbm>>) target(%arg13 : memref<100x320xf32, #tpu.memory_space<vmem>>) target_semaphore(%arg15 : memref<!tpu.dma_semaphore, #tpu.memory_space<semaphore_mem>>)
    tpu.wait_dma2 semaphore(%arg15 : memref<!tpu.dma_semaphore, #tpu.memory_space<semaphore_mem>>) src(%arg8 : memref<100x320xf32, #tpu.memory_space<hbm>>) dst(%arg13 : memref<100x320xf32, #tpu.memory_space<vmem>>)
    %scan3A = arith.constant 0 : i32
    %scan3A_3 = arith.constant 0 : i32
    %scan3A_4 = arith.constant 16 : i32
    %scan3A_5 = arith.addi %scan3A_3, %scan3A_4 : i32
    %scan3A_6 = arith.constant 1 : i32
    scf.for %scan3A_340 = %scan3A_3 to %scan3A_5 step %scan3A_6  : i32 {
      %mul3A_341 = arith.constant 100 : i32
      %mul3A_342 = arith.muli %scan3A_340, %mul3A_341 : i32
      %add3A_343 = arith.addi %mul3A_2, %mul3A_342 : i32
      %dma_start3A_344 = arith.constant 0 : i32
      %dma_start3A_345 = arith.constant 0 : i32
      %dma_start3A_346 = tpu.memref_slice %arg13[%dma_start3A_344, %dma_start3A_345] : memref<100x320xf32, #tpu.memory_space<vmem>> -> memref<100x160xf32, #tpu.memory_space<vmem>>
      %dma_start3A_347 = arith.constant 0 : i32
      %dma_start3A_348 = tpu.memref_slice %arg9[%add3A_343, %dma_start3A_347] : memref<51200x1056xf32, #tpu.memory_space<hbm>> -> memref<100x160xf32, #tpu.memory_space<hbm>>
      %dma_start3A_349 = arith.constant 0 : i32
      %dma_start3A_350 = tpu.memref_slice %arg9[%add3A_343, %dma_start3A_349] : memref<51200x1056xf32, #tpu.memory_space<hbm>> -> memref<100x160xf32, #tpu.memory_space<hbm>>
      %dma_start3A_351 = arith.constant 0 : i32
      %dma_start3A_352 = arith.constant 0 : i32
      %dma_start3A_353 = tpu.memref_slice %arg13[%dma_start3A_351, %dma_start3A_352] : memref<100x320xf32, #tpu.memory_space<vmem>> -> memref<100x160xf32, #tpu.memory_space<vmem>>
      tpu.enqueue_dma source(%dma_start3A_353 : memref<100x160xf32, #tpu.memory_space<vmem>>) target(%dma_start3A_350 : memref<100x160xf32, #tpu.memory_space<hbm>>) target_semaphore(%arg16 : memref<!tpu.dma_semaphore, #tpu.memory_space<semaphore_mem>>)
      %dma_start3A_354 = arith.constant 320 : i32
      %dma_start3A_355 = tpu.memref_slice %arg9[%add3A_343, %dma_start3A_354] : memref<51200x1056xf32, #tpu.memory_space<hbm>> -> memref<100x320xf32, #tpu.memory_space<hbm>>
      %dma_start3A_356 = arith.constant 320 : i32
      %dma_start3A_357 = tpu.memref_slice %arg9[%add3A_343, %dma_start3A_356] : memref<51200x1056xf32, #tpu.memory_space<hbm>> -> memref<100x320xf32, #tpu.memory_space<hbm>>
      tpu.enqueue_dma source(%arg13 : memref<100x320xf32, #tpu.memory_space<vmem>>) target(%dma_start3A_357 : memref<100x320xf32, #tpu.memory_space<hbm>>) target_semaphore(%arg16 : memref<!tpu.dma_semaphore, #tpu.memory_space<semaphore_mem>>)
      %dma_start3A_358 = arith.constant 0 : i32
      %dma_start3A_359 = arith.constant 0 : i32
      %dma_start3A_360 = tpu.memref_slice %arg13[%dma_start3A_358, %dma_start3A_359] : memref<100x320xf32, #tpu.memory_space<vmem>> -> memref<100x192xf32, #tpu.memory_space<vmem>>
      %dma_start3A_361 = arith.constant 800 : i32
      %dma_start3A_362 = tpu.memref_slice %arg9[%add3A_343, %dma_start3A_361] : memref<51200x1056xf32, #tpu.memory_space<hbm>> -> memref<100x192xf32, #tpu.memory_space<hbm>>
      %dma_start3A_363 = arith.constant 800 : i32
      %dma_start3A_364 = tpu.memref_slice %arg9[%add3A_343, %dma_start3A_363] : memref<51200x1056xf32, #tpu.memory_space<hbm>> -> memref<100x192xf32, #tpu.memory_space<hbm>>
      %dma_start3A_365 = arith.constant 0 : i32
      %dma_start3A_366 = arith.constant 0 : i32
      %dma_start3A_367 = tpu.memref_slice %arg13[%dma_start3A_365, %dma_start3A_366] : memref<100x320xf32, #tpu.memory_space<vmem>> -> memref<100x192xf32, #tpu.memory_space<vmem>>
      tpu.enqueue_dma source(%dma_start3A_367 : memref<100x192xf32, #tpu.memory_space<vmem>>) target(%dma_start3A_364 : memref<100x192xf32, #tpu.memory_space<hbm>>) target_semaphore(%arg16 : memref<!tpu.dma_semaphore, #tpu.memory_space<semaphore_mem>>)
      %dma_start3A_368 = arith.constant 0 : i32
      %dma_start3A_369 = arith.constant 0 : i32
      %dma_start3A_370 = tpu.memref_slice %arg13[%dma_start3A_368, %dma_start3A_369] : memref<100x320xf32, #tpu.memory_space<vmem>> -> memref<100x32xf32, #tpu.memory_space<vmem>>
      %dma_start3A_371 = arith.constant 1024 : i32
      %dma_start3A_372 = tpu.memref_slice %arg9[%add3A_343, %dma_start3A_371] : memref<51200x1056xf32, #tpu.memory_space<hbm>> -> memref<100x32xf32, #tpu.memory_space<hbm>>
      %dma_start3A_373 = arith.constant 1024 : i32
      %dma_start3A_374 = tpu.memref_slice %arg9[%add3A_343, %dma_start3A_373] : memref<51200x1056xf32, #tpu.memory_space<hbm>> -> memref<100x32xf32, #tpu.memory_space<hbm>>
      %dma_start3A_375 = arith.constant 0 : i32
      %dma_start3A_376 = arith.constant 0 : i32
      %dma_start3A_377 = tpu.memref_slice %arg13[%dma_start3A_375, %dma_start3A_376] : memref<100x320xf32, #tpu.memory_space<vmem>> -> memref<100x32xf32, #tpu.memory_space<vmem>>
      tpu.enqueue_dma source(%dma_start3A_377 : memref<100x32xf32, #tpu.memory_space<vmem>>) target(%dma_start3A_374 : memref<100x32xf32, #tpu.memory_space<hbm>>) target_semaphore(%arg16 : memref<!tpu.dma_semaphore, #tpu.memory_space<semaphore_mem>>)
    }
    %scan3A_7 = arith.constant 16 : i32
    %mul3A_8 = arith.constant 20 : i32
    %mul3A_9 = arith.muli %add3A, %mul3A_8 : i32
    %add3A_10 = arith.constant 0 : i32
    %add3A_11 = arith.addi %add3A_10, %mul3A_9 : i32
    %dma_start3A = arith.constant 0 : i32
    %dma_start3A_12 = arith.constant 0 : i32
    %dma_start3A_13 = tpu.memref_slice %arg10[%dma_start3A, %dma_start3A_12] : memref<100x80xi32, #tpu.memory_space<vmem>> -> memref<20x80xi32, #tpu.memory_space<vmem>>
    %dma_start3A_14 = arith.constant 0 : i32
    %dma_start3A_15 = tpu.memref_slice %arg5[%add3A_11, %dma_start3A_14] : memref<3200x80xi32, #tpu.memory_space<hbm>> -> memref<20x80xi32, #tpu.memory_space<hbm>>
    %dma_start3A_16 = arith.constant 0 : i32
    %dma_start3A_17 = arith.constant 0 : i32
    %dma_start3A_18 = tpu.memref_slice %arg10[%dma_start3A_16, %dma_start3A_17] : memref<100x80xi32, #tpu.memory_space<vmem>> -> memref<20x80xi32, #tpu.memory_space<vmem>>
    %dma_start3A_19 = arith.constant 0 : i32
    %dma_start3A_20 = tpu.memref_slice %arg5[%add3A_11, %dma_start3A_19] : memref<3200x80xi32, #tpu.memory_space<hbm>> -> memref<20x80xi32, #tpu.memory_space<hbm>>
    tpu.enqueue_dma source(%dma_start3A_20 : memref<20x80xi32, #tpu.memory_space<hbm>>) target(%dma_start3A_18 : memref<20x80xi32, #tpu.memory_space<vmem>>) target_semaphore(%arg15 : memref<!tpu.dma_semaphore, #tpu.memory_space<semaphore_mem>>)
    %mul3A_21 = arith.constant 20 : i32
    %mul3A_22 = arith.muli %add3A, %mul3A_21 : i32
    %add3A_23 = arith.constant 0 : i32
    %add3A_24 = arith.addi %add3A_23, %mul3A_22 : i32
    %dma_start3A_25 = arith.constant 0 : i32
    %dma_start3A_26 = arith.constant 0 : i32
    %dma_start3A_27 = tpu.memref_slice %arg11[%dma_start3A_25, %dma_start3A_26] : memref<100x80xi32, #tpu.memory_space<vmem>> -> memref<20x80xi32, #tpu.memory_space<vmem>>
    %dma_start3A_28 = arith.constant 0 : i32
    %dma_start3A_29 = tpu.memref_slice %arg6[%add3A_24, %dma_start3A_28] : memref<3200x80xi32, #tpu.memory_space<hbm>> -> memref<20x80xi32, #tpu.memory_space<hbm>>
    %dma_start3A_30 = arith.constant 0 : i32
    %dma_start3A_31 = arith.constant 0 : i32
    %dma_start3A_32 = tpu.memref_slice %arg11[%dma_start3A_30, %dma_start3A_31] : memref<100x80xi32, #tpu.memory_space<vmem>> -> memref<20x80xi32, #tpu.memory_space<vmem>>
    %dma_start3A_33 = arith.constant 0 : i32
    %dma_start3A_34 = tpu.memref_slice %arg6[%add3A_24, %dma_start3A_33] : memref<3200x80xi32, #tpu.memory_space<hbm>> -> memref<20x80xi32, #tpu.memory_space<hbm>>
    tpu.enqueue_dma source(%dma_start3A_34 : memref<20x80xi32, #tpu.memory_space<hbm>>) target(%dma_start3A_32 : memref<20x80xi32, #tpu.memory_space<vmem>>) target_semaphore(%arg15 : memref<!tpu.dma_semaphore, #tpu.memory_space<semaphore_mem>>)
    %mul3A_35 = arith.constant 20 : i32
    %mul3A_36 = arith.muli %add3A, %mul3A_35 : i32
    %add3A_37 = arith.constant 640 : i32
    %add3A_38 = arith.addi %add3A_37, %mul3A_36 : i32
    %dma_start3A_39 = arith.constant 20 : i32
    %dma_start3A_40 = arith.constant 0 : i32
    %dma_start3A_41 = tpu.memref_slice %arg10[%dma_start3A_39, %dma_start3A_40] : memref<100x80xi32, #tpu.memory_space<vmem>> -> memref<20x80xi32, #tpu.memory_space<vmem>>
    %dma_start3A_42 = arith.constant 0 : i32
    %dma_start3A_43 = tpu.memref_slice %arg5[%add3A_38, %dma_start3A_42] : memref<3200x80xi32, #tpu.memory_space<hbm>> -> memref<20x80xi32, #tpu.memory_space<hbm>>
    %dma_start3A_44 = arith.constant 20 : i32
    %dma_start3A_45 = arith.constant 0 : i32
    %dma_start3A_46 = tpu.memref_slice %arg10[%dma_start3A_44, %dma_start3A_45] : memref<100x80xi32, #tpu.memory_space<vmem>> -> memref<20x80xi32, #tpu.memory_space<vmem>>
    %dma_start3A_47 = arith.constant 0 : i32
    %dma_start3A_48 = tpu.memref_slice %arg5[%add3A_38, %dma_start3A_47] : memref<3200x80xi32, #tpu.memory_space<hbm>> -> memref<20x80xi32, #tpu.memory_space<hbm>>
    tpu.enqueue_dma source(%dma_start3A_48 : memref<20x80xi32, #tpu.memory_space<hbm>>) target(%dma_start3A_46 : memref<20x80xi32, #tpu.memory_space<vmem>>) target_semaphore(%arg15 : memref<!tpu.dma_semaphore, #tpu.memory_space<semaphore_mem>>)
    %mul3A_49 = arith.constant 20 : i32
    %mul3A_50 = arith.muli %add3A, %mul3A_49 : i32
    %add3A_51 = arith.constant 640 : i32
    %add3A_52 = arith.addi %add3A_51, %mul3A_50 : i32
    %dma_start3A_53 = arith.constant 20 : i32
    %dma_start3A_54 = arith.constant 0 : i32
    %dma_start3A_55 = tpu.memref_slice %arg11[%dma_start3A_53, %dma_start3A_54] : memref<100x80xi32, #tpu.memory_space<vmem>> -> memref<20x80xi32, #tpu.memory_space<vmem>>
    %dma_start3A_56 = arith.constant 0 : i32
    %dma_start3A_57 = tpu.memref_slice %arg6[%add3A_52, %dma_start3A_56] : memref<3200x80xi32, #tpu.memory_space<hbm>> -> memref<20x80xi32, #tpu.memory_space<hbm>>
    %dma_start3A_58 = arith.constant 20 : i32
    %dma_start3A_59 = arith.constant 0 : i32
    %dma_start3A_60 = tpu.memref_slice %arg11[%dma_start3A_58, %dma_start3A_59] : memref<100x80xi32, #tpu.memory_space<vmem>> -> memref<20x80xi32, #tpu.memory_space<vmem>>
    %dma_start3A_61 = arith.constant 0 : i32
    %dma_start3A_62 = tpu.memref_slice %arg6[%add3A_52, %dma_start3A_61] : memref<3200x80xi32, #tpu.memory_space<hbm>> -> memref<20x80xi32, #tpu.memory_space<hbm>>
    tpu.enqueue_dma source(%dma_start3A_62 : memref<20x80xi32, #tpu.memory_space<hbm>>) target(%dma_start3A_60 : memref<20x80xi32, #tpu.memory_space<vmem>>) target_semaphore(%arg15 : memref<!tpu.dma_semaphore, #tpu.memory_space<semaphore_mem>>)
    %mul3A_63 = arith.constant 20 : i32
    %mul3A_64 = arith.muli %add3A, %mul3A_63 : i32
    %add3A_65 = arith.constant 1280 : i32
    %add3A_66 = arith.addi %add3A_65, %mul3A_64 : i32
    %dma_start3A_67 = arith.constant 40 : i32
    %dma_start3A_68 = arith.constant 0 : i32
    %dma_start3A_69 = tpu.memref_slice %arg10[%dma_start3A_67, %dma_start3A_68] : memref<100x80xi32, #tpu.memory_space<vmem>> -> memref<20x80xi32, #tpu.memory_space<vmem>>
    %dma_start3A_70 = arith.constant 0 : i32
    %dma_start3A_71 = tpu.memref_slice %arg5[%add3A_66, %dma_start3A_70] : memref<3200x80xi32, #tpu.memory_space<hbm>> -> memref<20x80xi32, #tpu.memory_space<hbm>>
    %dma_start3A_72 = arith.constant 40 : i32
    %dma_start3A_73 = arith.constant 0 : i32
    %dma_start3A_74 = tpu.memref_slice %arg10[%dma_start3A_72, %dma_start3A_73] : memref<100x80xi32, #tpu.memory_space<vmem>> -> memref<20x80xi32, #tpu.memory_space<vmem>>
    %dma_start3A_75 = arith.constant 0 : i32
    %dma_start3A_76 = tpu.memref_slice %arg5[%add3A_66, %dma_start3A_75] : memref<3200x80xi32, #tpu.memory_space<hbm>> -> memref<20x80xi32, #tpu.memory_space<hbm>>
    tpu.enqueue_dma source(%dma_start3A_76 : memref<20x80xi32, #tpu.memory_space<hbm>>) target(%dma_start3A_74 : memref<20x80xi32, #tpu.memory_space<vmem>>) target_semaphore(%arg15 : memref<!tpu.dma_semaphore, #tpu.memory_space<semaphore_mem>>)
    %mul3A_77 = arith.constant 20 : i32
    %mul3A_78 = arith.muli %add3A, %mul3A_77 : i32
    %add3A_79 = arith.constant 1280 : i32
    %add3A_80 = arith.addi %add3A_79, %mul3A_78 : i32
    %dma_start3A_81 = arith.constant 40 : i32
    %dma_start3A_82 = arith.constant 0 : i32
    %dma_start3A_83 = tpu.memref_slice %arg11[%dma_start3A_81, %dma_start3A_82] : memref<100x80xi32, #tpu.memory_space<vmem>> -> memref<20x80xi32, #tpu.memory_space<vmem>>
    %dma_start3A_84 = arith.constant 0 : i32
    %dma_start3A_85 = tpu.memref_slice %arg6[%add3A_80, %dma_start3A_84] : memref<3200x80xi32, #tpu.memory_space<hbm>> -> memref<20x80xi32, #tpu.memory_space<hbm>>
    %dma_start3A_86 = arith.constant 40 : i32
    %dma_start3A_87 = arith.constant 0 : i32
    %dma_start3A_88 = tpu.memref_slice %arg11[%dma_start3A_86, %dma_start3A_87] : memref<100x80xi32, #tpu.memory_space<vmem>> -> memref<20x80xi32, #tpu.memory_space<vmem>>
    %dma_start3A_89 = arith.constant 0 : i32
    %dma_start3A_90 = tpu.memref_slice %arg6[%add3A_80, %dma_start3A_89] : memref<3200x80xi32, #tpu.memory_space<hbm>> -> memref<20x80xi32, #tpu.memory_space<hbm>>
    tpu.enqueue_dma source(%dma_start3A_90 : memref<20x80xi32, #tpu.memory_space<hbm>>) target(%dma_start3A_88 : memref<20x80xi32, #tpu.memory_space<vmem>>) target_semaphore(%arg15 : memref<!tpu.dma_semaphore, #tpu.memory_space<semaphore_mem>>)
    %mul3A_91 = arith.constant 20 : i32
    %mul3A_92 = arith.muli %add3A, %mul3A_91 : i32
    %add3A_93 = arith.constant 1920 : i32
    %add3A_94 = arith.addi %add3A_93, %mul3A_92 : i32
    %dma_start3A_95 = arith.constant 60 : i32
    %dma_start3A_96 = arith.constant 0 : i32
    %dma_start3A_97 = tpu.memref_slice %arg10[%dma_start3A_95, %dma_start3A_96] : memref<100x80xi32, #tpu.memory_space<vmem>> -> memref<20x80xi32, #tpu.memory_space<vmem>>
    %dma_start3A_98 = arith.constant 0 : i32
    %dma_start3A_99 = tpu.memref_slice %arg5[%add3A_94, %dma_start3A_98] : memref<3200x80xi32, #tpu.memory_space<hbm>> -> memref<20x80xi32, #tpu.memory_space<hbm>>
    %dma_start3A_100 = arith.constant 60 : i32
    %dma_start3A_101 = arith.constant 0 : i32
    %dma_start3A_102 = tpu.memref_slice %arg10[%dma_start3A_100, %dma_start3A_101] : memref<100x80xi32, #tpu.memory_space<vmem>> -> memref<20x80xi32, #tpu.memory_space<vmem>>
    %dma_start3A_103 = arith.constant 0 : i32
    %dma_start3A_104 = tpu.memref_slice %arg5[%add3A_94, %dma_start3A_103] : memref<3200x80xi32, #tpu.memory_space<hbm>> -> memref<20x80xi32, #tpu.memory_space<hbm>>
    tpu.enqueue_dma source(%dma_start3A_104 : memref<20x80xi32, #tpu.memory_space<hbm>>) target(%dma_start3A_102 : memref<20x80xi32, #tpu.memory_space<vmem>>) target_semaphore(%arg15 : memref<!tpu.dma_semaphore, #tpu.memory_space<semaphore_mem>>)
    %mul3A_105 = arith.constant 20 : i32
    %mul3A_106 = arith.muli %add3A, %mul3A_105 : i32
    %add3A_107 = arith.constant 1920 : i32
    %add3A_108 = arith.addi %add3A_107, %mul3A_106 : i32
    %dma_start3A_109 = arith.constant 60 : i32
    %dma_start3A_110 = arith.constant 0 : i32
    %dma_start3A_111 = tpu.memref_slice %arg11[%dma_start3A_109, %dma_start3A_110] : memref<100x80xi32, #tpu.memory_space<vmem>> -> memref<20x80xi32, #tpu.memory_space<vmem>>
    %dma_start3A_112 = arith.constant 0 : i32
    %dma_start3A_113 = tpu.memref_slice %arg6[%add3A_108, %dma_start3A_112] : memref<3200x80xi32, #tpu.memory_space<hbm>> -> memref<20x80xi32, #tpu.memory_space<hbm>>
    %dma_start3A_114 = arith.constant 60 : i32
    %dma_start3A_115 = arith.constant 0 : i32
    %dma_start3A_116 = tpu.memref_slice %arg11[%dma_start3A_114, %dma_start3A_115] : memref<100x80xi32, #tpu.memory_space<vmem>> -> memref<20x80xi32, #tpu.memory_space<vmem>>
    %dma_start3A_117 = arith.constant 0 : i32
    %dma_start3A_118 = tpu.memref_slice %arg6[%add3A_108, %dma_start3A_117] : memref<3200x80xi32, #tpu.memory_space<hbm>> -> memref<20x80xi32, #tpu.memory_space<hbm>>
    tpu.enqueue_dma source(%dma_start3A_118 : memref<20x80xi32, #tpu.memory_space<hbm>>) target(%dma_start3A_116 : memref<20x80xi32, #tpu.memory_space<vmem>>) target_semaphore(%arg15 : memref<!tpu.dma_semaphore, #tpu.memory_space<semaphore_mem>>)
    %mul3A_119 = arith.constant 20 : i32
    %mul3A_120 = arith.muli %add3A, %mul3A_119 : i32
    %add3A_121 = arith.constant 2560 : i32
    %add3A_122 = arith.addi %add3A_121, %mul3A_120 : i32
    %dma_start3A_123 = arith.constant 80 : i32
    %dma_start3A_124 = arith.constant 0 : i32
    %dma_start3A_125 = tpu.memref_slice %arg10[%dma_start3A_123, %dma_start3A_124] : memref<100x80xi32, #tpu.memory_space<vmem>> -> memref<20x80xi32, #tpu.memory_space<vmem>>
    %dma_start3A_126 = arith.constant 0 : i32
    %dma_start3A_127 = tpu.memref_slice %arg5[%add3A_122, %dma_start3A_126] : memref<3200x80xi32, #tpu.memory_space<hbm>> -> memref<20x80xi32, #tpu.memory_space<hbm>>
    %dma_start3A_128 = arith.constant 80 : i32
    %dma_start3A_129 = arith.constant 0 : i32
    %dma_start3A_130 = tpu.memref_slice %arg10[%dma_start3A_128, %dma_start3A_129] : memref<100x80xi32, #tpu.memory_space<vmem>> -> memref<20x80xi32, #tpu.memory_space<vmem>>
    %dma_start3A_131 = arith.constant 0 : i32
    %dma_start3A_132 = tpu.memref_slice %arg5[%add3A_122, %dma_start3A_131] : memref<3200x80xi32, #tpu.memory_space<hbm>> -> memref<20x80xi32, #tpu.memory_space<hbm>>
    tpu.enqueue_dma source(%dma_start3A_132 : memref<20x80xi32, #tpu.memory_space<hbm>>) target(%dma_start3A_130 : memref<20x80xi32, #tpu.memory_space<vmem>>) target_semaphore(%arg15 : memref<!tpu.dma_semaphore, #tpu.memory_space<semaphore_mem>>)
    %mul3A_133 = arith.constant 20 : i32
    %mul3A_134 = arith.muli %add3A, %mul3A_133 : i32
    %add3A_135 = arith.constant 2560 : i32
    %add3A_136 = arith.addi %add3A_135, %mul3A_134 : i32
    %dma_start3A_137 = arith.constant 80 : i32
    %dma_start3A_138 = arith.constant 0 : i32
    %dma_start3A_139 = tpu.memref_slice %arg11[%dma_start3A_137, %dma_start3A_138] : memref<100x80xi32, #tpu.memory_space<vmem>> -> memref<20x80xi32, #tpu.memory_space<vmem>>
    %dma_start3A_140 = arith.constant 0 : i32
    %dma_start3A_141 = tpu.memref_slice %arg6[%add3A_136, %dma_start3A_140] : memref<3200x80xi32, #tpu.memory_space<hbm>> -> memref<20x80xi32, #tpu.memory_space<hbm>>
    %dma_start3A_142 = arith.constant 80 : i32
    %dma_start3A_143 = arith.constant 0 : i32
    %dma_start3A_144 = tpu.memref_slice %arg11[%dma_start3A_142, %dma_start3A_143] : memref<100x80xi32, #tpu.memory_space<vmem>> -> memref<20x80xi32, #tpu.memory_space<vmem>>
    %dma_start3A_145 = arith.constant 0 : i32
    %dma_start3A_146 = tpu.memref_slice %arg6[%add3A_136, %dma_start3A_145] : memref<3200x80xi32, #tpu.memory_space<hbm>> -> memref<20x80xi32, #tpu.memory_space<hbm>>
    tpu.enqueue_dma source(%dma_start3A_146 : memref<20x80xi32, #tpu.memory_space<hbm>>) target(%dma_start3A_144 : memref<20x80xi32, #tpu.memory_space<vmem>>) target_semaphore(%arg15 : memref<!tpu.dma_semaphore, #tpu.memory_space<semaphore_mem>>)
    %mul3A_147 = arith.constant 20 : i32
    %mul3A_148 = arith.muli %add3A, %mul3A_147 : i32
    %dma_start3A_149 = arith.constant 0 : i32
    %dma_start3A_150 = tpu.memref_slice %arg7[%mul3A_148, %dma_start3A_149] : memref<640x80xi32, #tpu.memory_space<hbm>> -> memref<20x80xi32, #tpu.memory_space<hbm>>
    %dma_start3A_151 = arith.constant 0 : i32
    %dma_start3A_152 = tpu.memref_slice %arg7[%mul3A_148, %dma_start3A_151] : memref<640x80xi32, #tpu.memory_space<hbm>> -> memref<20x80xi32, #tpu.memory_space<hbm>>
    tpu.enqueue_dma source(%dma_start3A_152 : memref<20x80xi32, #tpu.memory_space<hbm>>) target(%arg12 : memref<20x80xi32, #tpu.memory_space<vmem>>) target_semaphore(%arg15 : memref<!tpu.dma_semaphore, #tpu.memory_space<semaphore_mem>>)
    %mul3A_153 = arith.constant 20 : i32
    %mul3A_154 = arith.muli %add3A, %mul3A_153 : i32
    %add3A_155 = arith.constant 0 : i32
    %add3A_156 = arith.addi %add3A_155, %mul3A_154 : i32
    %dma_wait3A = arith.constant 0 : i32
    %dma_wait3A_157 = arith.constant 0 : i32
    %dma_wait3A_158 = tpu.memref_slice %arg10[%dma_wait3A, %dma_wait3A_157] : memref<100x80xi32, #tpu.memory_space<vmem>> -> memref<20x80xi32, #tpu.memory_space<vmem>>
    %dma_wait3A_159 = arith.constant 0 : i32
    %dma_wait3A_160 = tpu.memref_slice %arg5[%add3A_156, %dma_wait3A_159] : memref<3200x80xi32, #tpu.memory_space<hbm>> -> memref<20x80xi32, #tpu.memory_space<hbm>>
    %dma_wait3A_161 = arith.constant 0 : i32
    %dma_wait3A_162 = arith.constant 0 : i32
    %dma_wait3A_163 = tpu.memref_slice %arg10[%dma_wait3A_161, %dma_wait3A_162] : memref<100x80xi32, #tpu.memory_space<vmem>> -> memref<20x80xi32, #tpu.memory_space<vmem>>
    %dma_wait3A_164 = arith.constant 0 : i32
    %dma_wait3A_165 = tpu.memref_slice %arg5[%add3A_156, %dma_wait3A_164] : memref<3200x80xi32, #tpu.memory_space<hbm>> -> memref<20x80xi32, #tpu.memory_space<hbm>>
    tpu.wait_dma2 semaphore(%arg15 : memref<!tpu.dma_semaphore, #tpu.memory_space<semaphore_mem>>) src(%dma_wait3A_165 : memref<20x80xi32, #tpu.memory_space<hbm>>) dst(%dma_wait3A_163 : memref<20x80xi32, #tpu.memory_space<vmem>>)
    %mul3A_166 = arith.constant 20 : i32
    %mul3A_167 = arith.muli %add3A, %mul3A_166 : i32
    %add3A_168 = arith.constant 0 : i32
    %add3A_169 = arith.addi %add3A_168, %mul3A_167 : i32
    %dma_wait3A_170 = arith.constant 0 : i32
    %dma_wait3A_171 = arith.constant 0 : i32
    %dma_wait3A_172 = tpu.memref_slice %arg11[%dma_wait3A_170, %dma_wait3A_171] : memref<100x80xi32, #tpu.memory_space<vmem>> -> memref<20x80xi32, #tpu.memory_space<vmem>>
    %dma_wait3A_173 = arith.constant 0 : i32
    %dma_wait3A_174 = tpu.memref_slice %arg6[%add3A_169, %dma_wait3A_173] : memref<3200x80xi32, #tpu.memory_space<hbm>> -> memref<20x80xi32, #tpu.memory_space<hbm>>
    %dma_wait3A_175 = arith.constant 0 : i32
    %dma_wait3A_176 = arith.constant 0 : i32
    %dma_wait3A_177 = tpu.memref_slice %arg11[%dma_wait3A_175, %dma_wait3A_176] : memref<100x80xi32, #tpu.memory_space<vmem>> -> memref<20x80xi32, #tpu.memory_space<vmem>>
    %dma_wait3A_178 = arith.constant 0 : i32
    %dma_wait3A_179 = tpu.memref_slice %arg6[%add3A_169, %dma_wait3A_178] : memref<3200x80xi32, #tpu.memory_space<hbm>> -> memref<20x80xi32, #tpu.memory_space<hbm>>
    tpu.wait_dma2 semaphore(%arg15 : memref<!tpu.dma_semaphore, #tpu.memory_space<semaphore_mem>>) src(%dma_wait3A_179 : memref<20x80xi32, #tpu.memory_space<hbm>>) dst(%dma_wait3A_177 : memref<20x80xi32, #tpu.memory_space<vmem>>)
    %mul3A_180 = arith.constant 20 : i32
    %mul3A_181 = arith.muli %add3A, %mul3A_180 : i32
    %add3A_182 = arith.constant 640 : i32
    %add3A_183 = arith.addi %add3A_182, %mul3A_181 : i32
    %dma_wait3A_184 = arith.constant 20 : i32
    %dma_wait3A_185 = arith.constant 0 : i32
    %dma_wait3A_186 = tpu.memref_slice %arg10[%dma_wait3A_184, %dma_wait3A_185] : memref<100x80xi32, #tpu.memory_space<vmem>> -> memref<20x80xi32, #tpu.memory_space<vmem>>
    %dma_wait3A_187 = arith.constant 0 : i32
    %dma_wait3A_188 = tpu.memref_slice %arg5[%add3A_183, %dma_wait3A_187] : memref<3200x80xi32, #tpu.memory_space<hbm>> -> memref<20x80xi32, #tpu.memory_space<hbm>>
    %dma_wait3A_189 = arith.constant 20 : i32
    %dma_wait3A_190 = arith.constant 0 : i32
    %dma_wait3A_191 = tpu.memref_slice %arg10[%dma_wait3A_189, %dma_wait3A_190] : memref<100x80xi32, #tpu.memory_space<vmem>> -> memref<20x80xi32, #tpu.memory_space<vmem>>
    %dma_wait3A_192 = arith.constant 0 : i32
    %dma_wait3A_193 = tpu.memref_slice %arg5[%add3A_183, %dma_wait3A_192] : memref<3200x80xi32, #tpu.memory_space<hbm>> -> memref<20x80xi32, #tpu.memory_space<hbm>>
    tpu.wait_dma2 semaphore(%arg15 : memref<!tpu.dma_semaphore, #tpu.memory_space<semaphore_mem>>) src(%dma_wait3A_193 : memref<20x80xi32, #tpu.memory_space<hbm>>) dst(%dma_wait3A_191 : memref<20x80xi32, #tpu.memory_space<vmem>>)
    %mul3A_194 = arith.constant 20 : i32
    %mul3A_195 = arith.muli %add3A, %mul3A_194 : i32
    %add3A_196 = arith.constant 640 : i32
    %add3A_197 = arith.addi %add3A_196, %mul3A_195 : i32
    %dma_wait3A_198 = arith.constant 20 : i32
    %dma_wait3A_199 = arith.constant 0 : i32
    %dma_wait3A_200 = tpu.memref_slice %arg11[%dma_wait3A_198, %dma_wait3A_199] : memref<100x80xi32, #tpu.memory_space<vmem>> -> memref<20x80xi32, #tpu.memory_space<vmem>>
    %dma_wait3A_201 = arith.constant 0 : i32
    %dma_wait3A_202 = tpu.memref_slice %arg6[%add3A_197, %dma_wait3A_201] : memref<3200x80xi32, #tpu.memory_space<hbm>> -> memref<20x80xi32, #tpu.memory_space<hbm>>
    %dma_wait3A_203 = arith.constant 20 : i32
    %dma_wait3A_204 = arith.constant 0 : i32
    %dma_wait3A_205 = tpu.memref_slice %arg11[%dma_wait3A_203, %dma_wait3A_204] : memref<100x80xi32, #tpu.memory_space<vmem>> -> memref<20x80xi32, #tpu.memory_space<vmem>>
    %dma_wait3A_206 = arith.constant 0 : i32
    %dma_wait3A_207 = tpu.memref_slice %arg6[%add3A_197, %dma_wait3A_206] : memref<3200x80xi32, #tpu.memory_space<hbm>> -> memref<20x80xi32, #tpu.memory_space<hbm>>
    tpu.wait_dma2 semaphore(%arg15 : memref<!tpu.dma_semaphore, #tpu.memory_space<semaphore_mem>>) src(%dma_wait3A_207 : memref<20x80xi32, #tpu.memory_space<hbm>>) dst(%dma_wait3A_205 : memref<20x80xi32, #tpu.memory_space<vmem>>)
    %mul3A_208 = arith.constant 20 : i32
    %mul3A_209 = arith.muli %add3A, %mul3A_208 : i32
    %add3A_210 = arith.constant 1280 : i32
    %add3A_211 = arith.addi %add3A_210, %mul3A_209 : i32
    %dma_wait3A_212 = arith.constant 40 : i32
    %dma_wait3A_213 = arith.constant 0 : i32
    %dma_wait3A_214 = tpu.memref_slice %arg10[%dma_wait3A_212, %dma_wait3A_213] : memref<100x80xi32, #tpu.memory_space<vmem>> -> memref<20x80xi32, #tpu.memory_space<vmem>>
    %dma_wait3A_215 = arith.constant 0 : i32
    %dma_wait3A_216 = tpu.memref_slice %arg5[%add3A_211, %dma_wait3A_215] : memref<3200x80xi32, #tpu.memory_space<hbm>> -> memref<20x80xi32, #tpu.memory_space<hbm>>
    %dma_wait3A_217 = arith.constant 40 : i32
    %dma_wait3A_218 = arith.constant 0 : i32
    %dma_wait3A_219 = tpu.memref_slice %arg10[%dma_wait3A_217, %dma_wait3A_218] : memref<100x80xi32, #tpu.memory_space<vmem>> -> memref<20x80xi32, #tpu.memory_space<vmem>>
    %dma_wait3A_220 = arith.constant 0 : i32
    %dma_wait3A_221 = tpu.memref_slice %arg5[%add3A_211, %dma_wait3A_220] : memref<3200x80xi32, #tpu.memory_space<hbm>> -> memref<20x80xi32, #tpu.memory_space<hbm>>
    tpu.wait_dma2 semaphore(%arg15 : memref<!tpu.dma_semaphore, #tpu.memory_space<semaphore_mem>>) src(%dma_wait3A_221 : memref<20x80xi32, #tpu.memory_space<hbm>>) dst(%dma_wait3A_219 : memref<20x80xi32, #tpu.memory_space<vmem>>)
    %mul3A_222 = arith.constant 20 : i32
    %mul3A_223 = arith.muli %add3A, %mul3A_222 : i32
    %add3A_224 = arith.constant 1280 : i32
    %add3A_225 = arith.addi %add3A_224, %mul3A_223 : i32
    %dma_wait3A_226 = arith.constant 40 : i32
    %dma_wait3A_227 = arith.constant 0 : i32
    %dma_wait3A_228 = tpu.memref_slice %arg11[%dma_wait3A_226, %dma_wait3A_227] : memref<100x80xi32, #tpu.memory_space<vmem>> -> memref<20x80xi32, #tpu.memory_space<vmem>>
    %dma_wait3A_229 = arith.constant 0 : i32
    %dma_wait3A_230 = tpu.memref_slice %arg6[%add3A_225, %dma_wait3A_229] : memref<3200x80xi32, #tpu.memory_space<hbm>> -> memref<20x80xi32, #tpu.memory_space<hbm>>
    %dma_wait3A_231 = arith.constant 40 : i32
    %dma_wait3A_232 = arith.constant 0 : i32
    %dma_wait3A_233 = tpu.memref_slice %arg11[%dma_wait3A_231, %dma_wait3A_232] : memref<100x80xi32, #tpu.memory_space<vmem>> -> memref<20x80xi32, #tpu.memory_space<vmem>>
    %dma_wait3A_234 = arith.constant 0 : i32
    %dma_wait3A_235 = tpu.memref_slice %arg6[%add3A_225, %dma_wait3A_234] : memref<3200x80xi32, #tpu.memory_space<hbm>> -> memref<20x80xi32, #tpu.memory_space<hbm>>
    tpu.wait_dma2 semaphore(%arg15 : memref<!tpu.dma_semaphore, #tpu.memory_space<semaphore_mem>>) src(%dma_wait3A_235 : memref<20x80xi32, #tpu.memory_space<hbm>>) dst(%dma_wait3A_233 : memref<20x80xi32, #tpu.memory_space<vmem>>)
    %mul3A_236 = arith.constant 20 : i32
    %mul3A_237 = arith.muli %add3A, %mul3A_236 : i32
    %add3A_238 = arith.constant 1920 : i32
    %add3A_239 = arith.addi %add3A_238, %mul3A_237 : i32
    %dma_wait3A_240 = arith.constant 60 : i32
    %dma_wait3A_241 = arith.constant 0 : i32
    %dma_wait3A_242 = tpu.memref_slice %arg10[%dma_wait3A_240, %dma_wait3A_241] : memref<100x80xi32, #tpu.memory_space<vmem>> -> memref<20x80xi32, #tpu.memory_space<vmem>>
    %dma_wait3A_243 = arith.constant 0 : i32
    %dma_wait3A_244 = tpu.memref_slice %arg5[%add3A_239, %dma_wait3A_243] : memref<3200x80xi32, #tpu.memory_space<hbm>> -> memref<20x80xi32, #tpu.memory_space<hbm>>
    %dma_wait3A_245 = arith.constant 60 : i32
    %dma_wait3A_246 = arith.constant 0 : i32
    %dma_wait3A_247 = tpu.memref_slice %arg10[%dma_wait3A_245, %dma_wait3A_246] : memref<100x80xi32, #tpu.memory_space<vmem>> -> memref<20x80xi32, #tpu.memory_space<vmem>>
    %dma_wait3A_248 = arith.constant 0 : i32
    %dma_wait3A_249 = tpu.memref_slice %arg5[%add3A_239, %dma_wait3A_248] : memref<3200x80xi32, #tpu.memory_space<hbm>> -> memref<20x80xi32, #tpu.memory_space<hbm>>
    tpu.wait_dma2 semaphore(%arg15 : memref<!tpu.dma_semaphore, #tpu.memory_space<semaphore_mem>>) src(%dma_wait3A_249 : memref<20x80xi32, #tpu.memory_space<hbm>>) dst(%dma_wait3A_247 : memref<20x80xi32, #tpu.memory_space<vmem>>)
    %mul3A_250 = arith.constant 20 : i32
    %mul3A_251 = arith.muli %add3A, %mul3A_250 : i32
    %add3A_252 = arith.constant 1920 : i32
    %add3A_253 = arith.addi %add3A_252, %mul3A_251 : i32
    %dma_wait3A_254 = arith.constant 60 : i32
    %dma_wait3A_255 = arith.constant 0 : i32
    %dma_wait3A_256 = tpu.memref_slice %arg11[%dma_wait3A_254, %dma_wait3A_255] : memref<100x80xi32, #tpu.memory_space<vmem>> -> memref<20x80xi32, #tpu.memory_space<vmem>>
    %dma_wait3A_257 = arith.constant 0 : i32
    %dma_wait3A_258 = tpu.memref_slice %arg6[%add3A_253, %dma_wait3A_257] : memref<3200x80xi32, #tpu.memory_space<hbm>> -> memref<20x80xi32, #tpu.memory_space<hbm>>
    %dma_wait3A_259 = arith.constant 60 : i32
    %dma_wait3A_260 = arith.constant 0 : i32
    %dma_wait3A_261 = tpu.memref_slice %arg11[%dma_wait3A_259, %dma_wait3A_260] : memref<100x80xi32, #tpu.memory_space<vmem>> -> memref<20x80xi32, #tpu.memory_space<vmem>>
    %dma_wait3A_262 = arith.constant 0 : i32
    %dma_wait3A_263 = tpu.memref_slice %arg6[%add3A_253, %dma_wait3A_262] : memref<3200x80xi32, #tpu.memory_space<hbm>> -> memref<20x80xi32, #tpu.memory_space<hbm>>
    tpu.wait_dma2 semaphore(%arg15 : memref<!tpu.dma_semaphore, #tpu.memory_space<semaphore_mem>>) src(%dma_wait3A_263 : memref<20x80xi32, #tpu.memory_space<hbm>>) dst(%dma_wait3A_261 : memref<20x80xi32, #tpu.memory_space<vmem>>)
    %mul3A_264 = arith.constant 20 : i32
    %mul3A_265 = arith.muli %add3A, %mul3A_264 : i32
    %add3A_266 = arith.constant 2560 : i32
    %add3A_267 = arith.addi %add3A_266, %mul3A_265 : i32
    %dma_wait3A_268 = arith.constant 80 : i32
    %dma_wait3A_269 = arith.constant 0 : i32
    %dma_wait3A_270 = tpu.memref_slice %arg10[%dma_wait3A_268, %dma_wait3A_269] : memref<100x80xi32, #tpu.memory_space<vmem>> -> memref<20x80xi32, #tpu.memory_space<vmem>>
    %dma_wait3A_271 = arith.constant 0 : i32
    %dma_wait3A_272 = tpu.memref_slice %arg5[%add3A_267, %dma_wait3A_271] : memref<3200x80xi32, #tpu.memory_space<hbm>> -> memref<20x80xi32, #tpu.memory_space<hbm>>
    %dma_wait3A_273 = arith.constant 80 : i32
    %dma_wait3A_274 = arith.constant 0 : i32
    %dma_wait3A_275 = tpu.memref_slice %arg10[%dma_wait3A_273, %dma_wait3A_274] : memref<100x80xi32, #tpu.memory_space<vmem>> -> memref<20x80xi32, #tpu.memory_space<vmem>>
    %dma_wait3A_276 = arith.constant 0 : i32
    %dma_wait3A_277 = tpu.memref_slice %arg5[%add3A_267, %dma_wait3A_276] : memref<3200x80xi32, #tpu.memory_space<hbm>> -> memref<20x80xi32, #tpu.memory_space<hbm>>
    tpu.wait_dma2 semaphore(%arg15 : memref<!tpu.dma_semaphore, #tpu.memory_space<semaphore_mem>>) src(%dma_wait3A_277 : memref<20x80xi32, #tpu.memory_space<hbm>>) dst(%dma_wait3A_275 : memref<20x80xi32, #tpu.memory_space<vmem>>)
    %mul3A_278 = arith.constant 20 : i32
    %mul3A_279 = arith.muli %add3A, %mul3A_278 : i32
    %add3A_280 = arith.constant 2560 : i32
    %add3A_281 = arith.addi %add3A_280, %mul3A_279 : i32
    %dma_wait3A_282 = arith.constant 80 : i32
    %dma_wait3A_283 = arith.constant 0 : i32
    %dma_wait3A_284 = tpu.memref_slice %arg11[%dma_wait3A_282, %dma_wait3A_283] : memref<100x80xi32, #tpu.memory_space<vmem>> -> memref<20x80xi32, #tpu.memory_space<vmem>>
    %dma_wait3A_285 = arith.constant 0 : i32
    %dma_wait3A_286 = tpu.memref_slice %arg6[%add3A_281, %dma_wait3A_285] : memref<3200x80xi32, #tpu.memory_space<hbm>> -> memref<20x80xi32, #tpu.memory_space<hbm>>
    %dma_wait3A_287 = arith.constant 80 : i32
    %dma_wait3A_288 = arith.constant 0 : i32
    %dma_wait3A_289 = tpu.memref_slice %arg11[%dma_wait3A_287, %dma_wait3A_288] : memref<100x80xi32, #tpu.memory_space<vmem>> -> memref<20x80xi32, #tpu.memory_space<vmem>>
    %dma_wait3A_290 = arith.constant 0 : i32
    %dma_wait3A_291 = tpu.memref_slice %arg6[%add3A_281, %dma_wait3A_290] : memref<3200x80xi32, #tpu.memory_space<hbm>> -> memref<20x80xi32, #tpu.memory_space<hbm>>
    tpu.wait_dma2 semaphore(%arg15 : memref<!tpu.dma_semaphore, #tpu.memory_space<semaphore_mem>>) src(%dma_wait3A_291 : memref<20x80xi32, #tpu.memory_space<hbm>>) dst(%dma_wait3A_289 : memref<20x80xi32, #tpu.memory_space<vmem>>)
    %mul3A_292 = arith.constant 20 : i32
    %mul3A_293 = arith.muli %add3A, %mul3A_292 : i32
    %dma_wait3A_294 = arith.constant 0 : i32
    %dma_wait3A_295 = tpu.memref_slice %arg7[%mul3A_293, %dma_wait3A_294] : memref<640x80xi32, #tpu.memory_space<hbm>> -> memref<20x80xi32, #tpu.memory_space<hbm>>
    %dma_wait3A_296 = arith.constant 0 : i32
    %dma_wait3A_297 = tpu.memref_slice %arg7[%mul3A_293, %dma_wait3A_296] : memref<640x80xi32, #tpu.memory_space<hbm>> -> memref<20x80xi32, #tpu.memory_space<hbm>>
    tpu.wait_dma2 semaphore(%arg15 : memref<!tpu.dma_semaphore, #tpu.memory_space<semaphore_mem>>) src(%dma_wait3A_297 : memref<20x80xi32, #tpu.memory_space<hbm>>) dst(%arg12 : memref<20x80xi32, #tpu.memory_space<vmem>>)
    %scan3A_298 = arith.constant 0 : i32
    %scan3A_299 = arith.constant 0 : i32
    %scan3A_300 = arith.constant 106 : i32
    %scan3A_301 = arith.addi %scan3A_299, %scan3A_300 : i32
    %scan3A_302 = arith.constant 1 : i32
    scf.for %scan3A_340 = %scan3A_299 to %scan3A_301 step %scan3A_302  : i32 {
      %rem3A = arith.constant 12 : i32
      %rem3A_341 = arith.remsi %scan3A_340, %rem3A : i32
      %lt3A = arith.constant 100 : i32
      %lt3A_342 = arith.cmpi slt, %scan3A_340, %lt3A : i32
      %convert_element_type3A = arith.extui %lt3A_342 : i1 to i32
      %cond3A = arith.constant 0 : i32
      %cond3A_343 = arith.cmpi ne, %convert_element_type3A, %cond3A : i32
      scf.if %cond3A_343 {
        %ge3A_348 = arith.constant 12 : i32
        %ge3A_349 = arith.cmpi sge, %scan3A_340, %ge3A_348 : i32
        %convert_element_type3A_350 = arith.extui %ge3A_349 : i1 to i32
        %cond3A_351 = arith.constant 0 : i32
        %cond3A_352 = arith.cmpi ne, %convert_element_type3A_350, %cond3A_351 : i32
        scf.if %cond3A_352 {
          %sub3A = arith.constant 12 : i32
          %sub3A_428 = arith.subi %scan3A_340, %sub3A : i32
          %rem3A_429 = arith.constant 20 : i32
          %rem3A_430 = arith.remsi %sub3A_428, %rem3A_429 : i32
          %mul3A_431 = arith.constant 80 : i32
          %mul3A_432 = arith.muli %rem3A_430, %mul3A_431 : i32
          %add3A_433 = arith.addi %mul3A_2, %mul3A_432 : i32
          %div3A = arith.constant 20 : i32
          %div3A_434 = arith.divsi %sub3A_428, %div3A : i32
          %mul3A_435 = arith.constant 32 : i32
          %mul3A_436 = arith.muli %div3A_434, %mul3A_435 : i32
          %add3A_437 = arith.constant 160 : i32
          %add3A_438 = arith.addi %add3A_437, %mul3A_436 : i32
          %dma_wait3A_439 = arith.constant 0 : i32
          %dma_wait3A_440 = arith.constant 0 : i32
          %dma_wait3A_441 = tpu.memref_slice %arg14[%rem3A_341, %dma_wait3A_439, %dma_wait3A_440] : memref<12x80x32xf32, #tpu.memory_space<vmem>> -> memref<1x80x32xf32, #tpu.memory_space<vmem>>
          %dma_wait3A_442 = tpu.memref_squeeze %dma_wait3A_441 : memref<1x80x32xf32, #tpu.memory_space<vmem>> -> memref<80x32xf32, #tpu.memory_space<vmem>>
          %dma_wait3A_443 = tpu.memref_slice %arg9[%add3A_433, %add3A_438] : memref<51200x1056xf32, #tpu.memory_space<hbm>> -> memref<80x32xf32, #tpu.memory_space<hbm>>
          %dma_wait3A_444 = tpu.memref_slice %arg18[%rem3A_341] : memref<12x!tpu.dma_semaphore, #tpu.memory_space<semaphore_mem>> -> memref<1x!tpu.dma_semaphore, #tpu.memory_space<semaphore_mem>>
          %dma_wait3A_445 = tpu.memref_squeeze %dma_wait3A_444 : memref<1x!tpu.dma_semaphore, #tpu.memory_space<semaphore_mem>> -> memref<!tpu.dma_semaphore, #tpu.memory_space<semaphore_mem>>
          %dma_wait3A_446 = tpu.memref_slice %arg9[%add3A_433, %add3A_438] : memref<51200x1056xf32, #tpu.memory_space<hbm>> -> memref<80x32xf32, #tpu.memory_space<hbm>>
          %dma_wait3A_447 = arith.constant 0 : i32
          %dma_wait3A_448 = arith.constant 0 : i32
          %dma_wait3A_449 = tpu.memref_slice %arg14[%rem3A_341, %dma_wait3A_447, %dma_wait3A_448] : memref<12x80x32xf32, #tpu.memory_space<vmem>> -> memref<1x80x32xf32, #tpu.memory_space<vmem>>
          %dma_wait3A_450 = tpu.memref_squeeze %dma_wait3A_449 : memref<1x80x32xf32, #tpu.memory_space<vmem>> -> memref<80x32xf32, #tpu.memory_space<vmem>>
          tpu.wait_dma2 semaphore(%dma_wait3A_445 : memref<!tpu.dma_semaphore, #tpu.memory_space<semaphore_mem>>) src(%dma_wait3A_450 : memref<80x32xf32, #tpu.memory_space<vmem>>) dst(%dma_wait3A_446 : memref<80x32xf32, #tpu.memory_space<hbm>>)
        } else {
        }
        %get3A = arith.index_cast %scan3A_340 : i32 to index
        %get3A_353 = arith.constant 0 : index
        %get3A_354 = tpu.vector_load %arg10[%get3A, %get3A_353] {strides = array<i32>} : memref<100x80xi32, #tpu.memory_space<vmem>>, vector<16xi32>,
        %reduce_min3A = arith.constant true
        %reduce_min3A_355 = vector.broadcast %reduce_min3A : i1 to vector<16xi1>
        %reduce_min3A_356 = arith.constant -2147483648 : i32
        %reduce_min3A_357 = vector.broadcast %reduce_min3A_356 : i32 to vector<16xi32>
        %reduce_min3A_358 = arith.xori %get3A_354, %reduce_min3A_357 : vector<16xi32>
        %reduce_min3A_359 = tpu.scan <min>, %reduce_min3A_358 masked %reduce_min3A_355 : vector<16xi32>, vector<16xi1> -> vector<16xi32>
        %reduce_min3A_360 = arith.xori %reduce_min3A_359, %reduce_min3A_357 : vector<16xi32>
        %reduce_min3A_361 = vector.extract %reduce_min3A_360[15] : i32 from vector<16xi32>
        %min3A = arith.constant 1 : i32
        %min3A_362 = arith.minsi %min3A, %reduce_min3A_361 : i32
        %get3A_363 = arith.index_cast %scan3A_340 : i32 to index
        %get3A_364 = arith.constant 16 : index
        %get3A_365 = tpu.vector_load %arg10[%get3A_363, %get3A_364] {strides = array<i32>} : memref<100x80xi32, #tpu.memory_space<vmem>>, vector<16xi32>,
        %reduce_min3A_366 = arith.constant true
        %reduce_min3A_367 = vector.broadcast %reduce_min3A_366 : i1 to vector<16xi1>
        %reduce_min3A_368 = arith.constant -2147483648 : i32
        %reduce_min3A_369 = vector.broadcast %reduce_min3A_368 : i32 to vector<16xi32>
        %reduce_min3A_370 = arith.xori %get3A_365, %reduce_min3A_369 : vector<16xi32>
        %reduce_min3A_371 = tpu.scan <min>, %reduce_min3A_370 masked %reduce_min3A_367 : vector<16xi32>, vector<16xi1> -> vector<16xi32>
        %reduce_min3A_372 = arith.xori %reduce_min3A_371, %reduce_min3A_369 : vector<16xi32>
        %reduce_min3A_373 = vector.extract %reduce_min3A_372[15] : i32 from vector<16xi32>
        %min3A_374 = arith.minsi %min3A_362, %reduce_min3A_373 : i32
        %get3A_375 = arith.index_cast %scan3A_340 : i32 to index
        %get3A_376 = arith.constant 32 : index
        %get3A_377 = tpu.vector_load %arg10[%get3A_375, %get3A_376] {strides = array<i32>} : memref<100x80xi32, #tpu.memory_space<vmem>>, vector<16xi32>,
        %reduce_min3A_378 = arith.constant true
        %reduce_min3A_379 = vector.broadcast %reduce_min3A_378 : i1 to vector<16xi1>
        %reduce_min3A_380 = arith.constant -2147483648 : i32
        %reduce_min3A_381 = vector.broadcast %reduce_min3A_380 : i32 to vector<16xi32>
        %reduce_min3A_382 = arith.xori %get3A_377, %reduce_min3A_381 : vector<16xi32>
        %reduce_min3A_383 = tpu.scan <min>, %reduce_min3A_382 masked %reduce_min3A_379 : vector<16xi32>, vector<16xi1> -> vector<16xi32>
        %reduce_min3A_384 = arith.xori %reduce_min3A_383, %reduce_min3A_381 : vector<16xi32>
        %reduce_min3A_385 = vector.extract %reduce_min3A_384[15] : i32 from vector<16xi32>
        %min3A_386 = arith.minsi %min3A_374, %reduce_min3A_385 : i32
        %get3A_387 = arith.index_cast %scan3A_340 : i32 to index
        %get3A_388 = arith.constant 48 : index
        %get3A_389 = tpu.vector_load %arg10[%get3A_387, %get3A_388] {strides = array<i32>} : memref<100x80xi32, #tpu.memory_space<vmem>>, vector<16xi32>,
        %reduce_min3A_390 = arith.constant true
        %reduce_min3A_391 = vector.broadcast %reduce_min3A_390 : i1 to vector<16xi1>
        %reduce_min3A_392 = arith.constant -2147483648 : i32
        %reduce_min3A_393 = vector.broadcast %reduce_min3A_392 : i32 to vector<16xi32>
        %reduce_min3A_394 = arith.xori %get3A_389, %reduce_min3A_393 : vector<16xi32>
        %reduce_min3A_395 = tpu.scan <min>, %reduce_min3A_394 masked %reduce_min3A_391 : vector<16xi32>, vector<16xi1> -> vector<16xi32>
        %reduce_min3A_396 = arith.xori %reduce_min3A_395, %reduce_min3A_393 : vector<16xi32>
        %reduce_min3A_397 = vector.extract %reduce_min3A_396[15] : i32 from vector<16xi32>
        %min3A_398 = arith.minsi %min3A_386, %reduce_min3A_397 : i32
        %get3A_399 = arith.index_cast %scan3A_340 : i32 to index
        %get3A_400 = arith.constant 64 : index
        %get3A_401 = tpu.vector_load %arg10[%get3A_399, %get3A_400] {strides = array<i32>} : memref<100x80xi32, #tpu.memory_space<vmem>>, vector<16xi32>,
        %reduce_min3A_402 = arith.constant true
        %reduce_min3A_403 = vector.broadcast %reduce_min3A_402 : i1 to vector<16xi1>
        %reduce_min3A_404 = arith.constant -2147483648 : i32
        %reduce_min3A_405 = vector.broadcast %reduce_min3A_404 : i32 to vector<16xi32>
        %reduce_min3A_406 = arith.xori %get3A_401, %reduce_min3A_405 : vector<16xi32>
        %reduce_min3A_407 = tpu.scan <min>, %reduce_min3A_406 masked %reduce_min3A_403 : vector<16xi32>, vector<16xi1> -> vector<16xi32>
        %reduce_min3A_408 = arith.xori %reduce_min3A_407, %reduce_min3A_405 : vector<16xi32>
        %reduce_min3A_409 = vector.extract %reduce_min3A_408[15] : i32 from vector<16xi32>
        %min3A_410 = arith.minsi %min3A_398, %reduce_min3A_409 : i32
        %eq3A = arith.constant 0 : i32
        %eq3A_411 = arith.cmpi eq, %min3A_410, %eq3A : i32
        %convert_element_type3A_412 = arith.extui %eq3A_411 : i1 to i32
        %cond3A_413 = arith.constant 0 : i32
        %cond3A_414 = arith.cmpi ne, %convert_element_type3A_412, %cond3A_413 : i32
        scf.if %cond3A_414 {
          %broadcast_in_dim3A = arith.constant 0.000000e+00 : f32
          %broadcast_in_dim3A_428 = vector.broadcast %broadcast_in_dim3A : f32 to vector<16xf32>
          %scan3A_429 = arith.constant 0 : i32
          %scan3A_430 = arith.constant 0 : i32
          %scan3A_431 = arith.constant 80 : i32
          %scan3A_432 = arith.addi %scan3A_430, %scan3A_431 : i32
          %scan3A_433 = arith.constant 1 : i32
          scf.for %scan3A_435 = %scan3A_430 to %scan3A_432 step %scan3A_433  : i32 {
            %swap3A = arith.index_cast %rem3A_341 : i32 to index
            %swap3A_436 = arith.index_cast %scan3A_435 : i32 to index
            %swap3A_437 = arith.constant 0 : index
            %swap3A_438 = tpu.vector_load %arg14[%swap3A, %swap3A_436, %swap3A_437] {strides = array<i32>} : memref<12x80x32xf32, #tpu.memory_space<vmem>>, vector<16xf32>,
            tpu.vector_store %arg14[%swap3A, %swap3A_436, %swap3A_437], %broadcast_in_dim3A_428 {strides = array<i32>} : memref<12x80x32xf32, #tpu.memory_space<vmem>>, vector<16xf32>,
            %swap3A_439 = arith.index_cast %rem3A_341 : i32 to index
            %swap3A_440 = arith.index_cast %scan3A_435 : i32 to index
            %swap3A_441 = arith.constant 16 : index
            %swap3A_442 = tpu.vector_load %arg14[%swap3A_439, %swap3A_440, %swap3A_441] {strides = array<i32>} : memref<12x80x32xf32, #tpu.memory_space<vmem>>, vector<16xf32>,
            tpu.vector_store %arg14[%swap3A_439, %swap3A_440, %swap3A_441], %broadcast_in_dim3A_428 {strides = array<i32>} : memref<12x80x32xf32, #tpu.memory_space<vmem>>, vector<16xf32>,
          }
          %scan3A_434 = arith.constant 80 : i32
        } else {
        }
        %dma_start3A_415 = arith.constant 0 : i32
        %dma_start3A_416 = arith.constant 0 : i32
        %dma_start3A_417 = tpu.memref_slice %arg14[%rem3A_341, %dma_start3A_415, %dma_start3A_416] : memref<12x80x32xf32, #tpu.memory_space<vmem>> -> memref<1x80x32xf32, #tpu.memory_space<vmem>>
        %dma_start3A_418 = tpu.memref_squeeze %dma_start3A_417 : memref<1x80x32xf32, #tpu.memory_space<vmem>> -> memref<80x32xf32, #tpu.memory_space<vmem>>
        %dma_start3A_419 = arith.constant 0 : i32
        %dma_start3A_420 = tpu.memref_slice %arg10[%scan3A_340, %dma_start3A_419] : memref<100x80xi32, #tpu.memory_space<vmem>> -> memref<1x80xi32, #tpu.memory_space<vmem>>
        %dma_start3A_421 = tpu.memref_squeeze %dma_start3A_420 : memref<1x80xi32, #tpu.memory_space<vmem>> -> memref<80xi32, #tpu.memory_space<vmem>>
        %dma_start3A_422 = arith.constant 0 : i32
        %dma_start3A_423 = arith.constant 0 : i32
        %dma_start3A_424 = tpu.memref_slice %arg2[%dma_start3A_422, %dma_start3A_423] : memref<100000x32xf32, #tpu.memory_space<hbm>> -> memref<100000x32xf32, #tpu.memory_space<hbm>>
        %dma_start3A_425 = arith.constant 0 : i32
        %dma_start3A_426 = tpu.memref_slice %arg17[%rem3A_341] : memref<12x!tpu.dma_semaphore, #tpu.memory_space<semaphore_mem>> -> memref<1x!tpu.dma_semaphore, #tpu.memory_space<semaphore_mem>>
        %dma_start3A_427 = tpu.memref_squeeze %dma_start3A_426 : memref<1x!tpu.dma_semaphore, #tpu.memory_space<semaphore_mem>> -> memref<!tpu.dma_semaphore, #tpu.memory_space<semaphore_mem>>
        tpu.enqueue_indirect_dma source(%dma_start3A_424 : memref<100000x32xf32, #tpu.memory_space<hbm>>) target(%dma_start3A_418 : memref<80x32xf32, #tpu.memory_space<vmem>>) offsets(%dma_start3A_421 : memref<80xi32, #tpu.memory_space<vmem>>) offset_filter(%dma_start3A_425) semaphore(%dma_start3A_427 : memref<!tpu.dma_semaphore, #tpu.memory_space<semaphore_mem>>)
      } else {
      }
      %ge3A = arith.constant 6 : i32
      %ge3A_344 = arith.cmpi sge, %scan3A_340, %ge3A : i32
      %convert_element_type3A_345 = arith.extui %ge3A_344 : i1 to i32
      %cond3A_346 = arith.constant 0 : i32
      %cond3A_347 = arith.cmpi ne, %convert_element_type3A_345, %cond3A_346 : i32
      scf.if %cond3A_347 {
        %sub3A = arith.constant 6 : i32
        %sub3A_348 = arith.subi %scan3A_340, %sub3A : i32
        %rem3A_349 = arith.constant 12 : i32
        %rem3A_350 = arith.remsi %sub3A_348, %rem3A_349 : i32
        %dma_wait3A_351 = arith.constant 0 : i32
        %dma_wait3A_352 = arith.constant 0 : i32
        %dma_wait3A_353 = tpu.memref_slice %arg14[%rem3A_350, %dma_wait3A_351, %dma_wait3A_352] : memref<12x80x32xf32, #tpu.memory_space<vmem>> -> memref<1x80x32xf32, #tpu.memory_space<vmem>>
        %dma_wait3A_354 = tpu.memref_squeeze %dma_wait3A_353 : memref<1x80x32xf32, #tpu.memory_space<vmem>> -> memref<80x32xf32, #tpu.memory_space<vmem>>
        %dma_wait3A_355 = arith.constant 0 : i32
        %dma_wait3A_356 = tpu.memref_slice %arg10[%sub3A_348, %dma_wait3A_355] : memref<100x80xi32, #tpu.memory_space<vmem>> -> memref<1x80xi32, #tpu.memory_space<vmem>>
        %dma_wait3A_357 = tpu.memref_squeeze %dma_wait3A_356 : memref<1x80xi32, #tpu.memory_space<vmem>> -> memref<80xi32, #tpu.memory_space<vmem>>
        %dma_wait3A_358 = arith.constant 0 : i32
        %dma_wait3A_359 = arith.constant 0 : i32
        %dma_wait3A_360 = tpu.memref_slice %arg2[%dma_wait3A_358, %dma_wait3A_359] : memref<100000x32xf32, #tpu.memory_space<hbm>> -> memref<100000x32xf32, #tpu.memory_space<hbm>>
        %dma_wait3A_361 = tpu.memref_slice %arg17[%rem3A_350] : memref<12x!tpu.dma_semaphore, #tpu.memory_space<semaphore_mem>> -> memref<1x!tpu.dma_semaphore, #tpu.memory_space<semaphore_mem>>
        %dma_wait3A_362 = tpu.memref_squeeze %dma_wait3A_361 : memref<1x!tpu.dma_semaphore, #tpu.memory_space<semaphore_mem>> -> memref<!tpu.dma_semaphore, #tpu.memory_space<semaphore_mem>>
        tpu.wait_indirect_dma semaphore(%dma_wait3A_362 : memref<!tpu.dma_semaphore, #tpu.memory_space<semaphore_mem>>) src(%dma_wait3A_360 : memref<100000x32xf32, #tpu.memory_space<hbm>>) dst(%dma_wait3A_354 : memref<80x32xf32, #tpu.memory_space<vmem>>)
        %rem3A_363 = arith.constant 20 : i32
        %rem3A_364 = arith.remsi %sub3A_348, %rem3A_363 : i32
        %mul3A_365 = arith.constant 80 : i32
        %mul3A_366 = arith.muli %rem3A_364, %mul3A_365 : i32
        %add3A_367 = arith.addi %mul3A_2, %mul3A_366 : i32
        %div3A = arith.constant 20 : i32
        %div3A_368 = arith.divsi %sub3A_348, %div3A : i32
        %mul3A_369 = arith.constant 32 : i32
        %mul3A_370 = arith.muli %div3A_368, %mul3A_369 : i32
        %add3A_371 = arith.constant 160 : i32
        %add3A_372 = arith.addi %add3A_371, %mul3A_370 : i32
        %dma_start3A_373 = arith.constant 0 : i32
        %dma_start3A_374 = arith.constant 0 : i32
        %dma_start3A_375 = tpu.memref_slice %arg14[%rem3A_350, %dma_start3A_373, %dma_start3A_374] : memref<12x80x32xf32, #tpu.memory_space<vmem>> -> memref<1x80x32xf32, #tpu.memory_space<vmem>>
        %dma_start3A_376 = tpu.memref_squeeze %dma_start3A_375 : memref<1x80x32xf32, #tpu.memory_space<vmem>> -> memref<80x32xf32, #tpu.memory_space<vmem>>
        %dma_start3A_377 = tpu.memref_slice %arg9[%add3A_367, %add3A_372] : memref<51200x1056xf32, #tpu.memory_space<hbm>> -> memref<80x32xf32, #tpu.memory_space<hbm>>
        %dma_start3A_378 = tpu.memref_slice %arg18[%rem3A_350] : memref<12x!tpu.dma_semaphore, #tpu.memory_space<semaphore_mem>> -> memref<1x!tpu.dma_semaphore, #tpu.memory_space<semaphore_mem>>
        %dma_start3A_379 = tpu.memref_squeeze %dma_start3A_378 : memref<1x!tpu.dma_semaphore, #tpu.memory_space<semaphore_mem>> -> memref<!tpu.dma_semaphore, #tpu.memory_space<semaphore_mem>>
        %dma_start3A_380 = tpu.memref_slice %arg9[%add3A_367, %add3A_372] : memref<51200x1056xf32, #tpu.memory_space<hbm>> -> memref<80x32xf32, #tpu.memory_space<hbm>>
        %dma_start3A_381 = arith.constant 0 : i32
        %dma_start3A_382 = arith.constant 0 : i32
        %dma_start3A_383 = tpu.memref_slice %arg14[%rem3A_350, %dma_start3A_381, %dma_start3A_382] : memref<12x80x32xf32, #tpu.memory_space<vmem>> -> memref<1x80x32xf32, #tpu.memory_space<vmem>>
        %dma_start3A_384 = tpu.memref_squeeze %dma_start3A_383 : memref<1x80x32xf32, #tpu.memory_space<vmem>> -> memref<80x32xf32, #tpu.memory_space<vmem>>
        tpu.enqueue_dma source(%dma_start3A_384 : memref<80x32xf32, #tpu.memory_space<vmem>>) target(%dma_start3A_380 : memref<80x32xf32, #tpu.memory_space<hbm>>) target_semaphore(%dma_start3A_379 : memref<!tpu.dma_semaphore, #tpu.memory_space<semaphore_mem>>)
      } else {
      }
    }
    %scan3A_303 = arith.constant 106 : i32
    %scan3A_304 = arith.constant 0 : i32
    %scan3A_305 = arith.constant 0 : i32
    %scan3A_306 = arith.constant 12 : i32
    %scan3A_307 = arith.addi %scan3A_305, %scan3A_306 : i32
    %scan3A_308 = arith.constant 1 : i32
    scf.for %scan3A_340 = %scan3A_305 to %scan3A_307 step %scan3A_308  : i32 {
      %add3A_341 = arith.constant 88 : i32
      %add3A_342 = arith.addi %add3A_341, %scan3A_340 : i32
      %rem3A = arith.constant 12 : i32
      %rem3A_343 = arith.remsi %add3A_342, %rem3A : i32
      %rem3A_344 = arith.constant 20 : i32
      %rem3A_345 = arith.remsi %add3A_342, %rem3A_344 : i32
      %mul3A_346 = arith.constant 80 : i32
      %mul3A_347 = arith.muli %rem3A_345, %mul3A_346 : i32
      %add3A_348 = arith.addi %mul3A_2, %mul3A_347 : i32
      %div3A = arith.constant 20 : i32
      %div3A_349 = arith.divsi %add3A_342, %div3A : i32
      %mul3A_350 = arith.constant 32 : i32
      %mul3A_351 = arith.muli %div3A_349, %mul3A_350 : i32
      %add3A_352 = arith.constant 160 : i32
      %add3A_353 = arith.addi %add3A_352, %mul3A_351 : i32
      %dma_wait3A_354 = arith.constant 0 : i32
      %dma_wait3A_355 = arith.constant 0 : i32
      %dma_wait3A_356 = tpu.memref_slice %arg14[%rem3A_343, %dma_wait3A_354, %dma_wait3A_355] : memref<12x80x32xf32, #tpu.memory_space<vmem>> -> memref<1x80x32xf32, #tpu.memory_space<vmem>>
      %dma_wait3A_357 = tpu.memref_squeeze %dma_wait3A_356 : memref<1x80x32xf32, #tpu.memory_space<vmem>> -> memref<80x32xf32, #tpu.memory_space<vmem>>
      %dma_wait3A_358 = tpu.memref_slice %arg9[%add3A_348, %add3A_353] : memref<51200x1056xf32, #tpu.memory_space<hbm>> -> memref<80x32xf32, #tpu.memory_space<hbm>>
      %dma_wait3A_359 = tpu.memref_slice %arg18[%rem3A_343] : memref<12x!tpu.dma_semaphore, #tpu.memory_space<semaphore_mem>> -> memref<1x!tpu.dma_semaphore, #tpu.memory_space<semaphore_mem>>
      %dma_wait3A_360 = tpu.memref_squeeze %dma_wait3A_359 : memref<1x!tpu.dma_semaphore, #tpu.memory_space<semaphore_mem>> -> memref<!tpu.dma_semaphore, #tpu.memory_space<semaphore_mem>>
      %dma_wait3A_361 = tpu.memref_slice %arg9[%add3A_348, %add3A_353] : memref<51200x1056xf32, #tpu.memory_space<hbm>> -> memref<80x32xf32, #tpu.memory_space<hbm>>
      %dma_wait3A_362 = arith.constant 0 : i32
      %dma_wait3A_363 = arith.constant 0 : i32
      %dma_wait3A_364 = tpu.memref_slice %arg14[%rem3A_343, %dma_wait3A_362, %dma_wait3A_363] : memref<12x80x32xf32, #tpu.memory_space<vmem>> -> memref<1x80x32xf32, #tpu.memory_space<vmem>>
      %dma_wait3A_365 = tpu.memref_squeeze %dma_wait3A_364 : memref<1x80x32xf32, #tpu.memory_space<vmem>> -> memref<80x32xf32, #tpu.memory_space<vmem>>
      tpu.wait_dma2 semaphore(%dma_wait3A_360 : memref<!tpu.dma_semaphore, #tpu.memory_space<semaphore_mem>>) src(%dma_wait3A_365 : memref<80x32xf32, #tpu.memory_space<vmem>>) dst(%dma_wait3A_361 : memref<80x32xf32, #tpu.memory_space<hbm>>)
    }
    %scan3A_309 = arith.constant 12 : i32
    %scan3A_310 = arith.constant 0 : i32
    %scan3A_311 = arith.constant 0 : i32
    %scan3A_312 = arith.constant 106 : i32
    %scan3A_313 = arith.addi %scan3A_311, %scan3A_312 : i32
    %scan3A_314 = arith.constant 1 : i32
    scf.for %scan3A_340 = %scan3A_311 to %scan3A_313 step %scan3A_314  : i32 {
      %rem3A = arith.constant 12 : i32
      %rem3A_341 = arith.remsi %scan3A_340, %rem3A : i32
      %lt3A = arith.constant 100 : i32
      %lt3A_342 = arith.cmpi slt, %scan3A_340, %lt3A : i32
      %convert_element_type3A = arith.extui %lt3A_342 : i1 to i32
      %cond3A = arith.constant 0 : i32
      %cond3A_343 = arith.cmpi ne, %convert_element_type3A, %cond3A : i32
      scf.if %cond3A_343 {
        %ge3A_348 = arith.constant 12 : i32
        %ge3A_349 = arith.cmpi sge, %scan3A_340, %ge3A_348 : i32
        %convert_element_type3A_350 = arith.extui %ge3A_349 : i1 to i32
        %cond3A_351 = arith.constant 0 : i32
        %cond3A_352 = arith.cmpi ne, %convert_element_type3A_350, %cond3A_351 : i32
        scf.if %cond3A_352 {
          %sub3A = arith.constant 12 : i32
          %sub3A_428 = arith.subi %scan3A_340, %sub3A : i32
          %rem3A_429 = arith.constant 20 : i32
          %rem3A_430 = arith.remsi %sub3A_428, %rem3A_429 : i32
          %mul3A_431 = arith.constant 80 : i32
          %mul3A_432 = arith.muli %rem3A_430, %mul3A_431 : i32
          %add3A_433 = arith.addi %mul3A_2, %mul3A_432 : i32
          %div3A = arith.constant 20 : i32
          %div3A_434 = arith.divsi %sub3A_428, %div3A : i32
          %mul3A_435 = arith.constant 32 : i32
          %mul3A_436 = arith.muli %div3A_434, %mul3A_435 : i32
          %add3A_437 = arith.constant 640 : i32
          %add3A_438 = arith.addi %add3A_437, %mul3A_436 : i32
          %dma_wait3A_439 = arith.constant 0 : i32
          %dma_wait3A_440 = arith.constant 0 : i32
          %dma_wait3A_441 = tpu.memref_slice %arg14[%rem3A_341, %dma_wait3A_439, %dma_wait3A_440] : memref<12x80x32xf32, #tpu.memory_space<vmem>> -> memref<1x80x32xf32, #tpu.memory_space<vmem>>
          %dma_wait3A_442 = tpu.memref_squeeze %dma_wait3A_441 : memref<1x80x32xf32, #tpu.memory_space<vmem>> -> memref<80x32xf32, #tpu.memory_space<vmem>>
          %dma_wait3A_443 = tpu.memref_slice %arg9[%add3A_433, %add3A_438] : memref<51200x1056xf32, #tpu.memory_space<hbm>> -> memref<80x32xf32, #tpu.memory_space<hbm>>
          %dma_wait3A_444 = tpu.memref_slice %arg18[%rem3A_341] : memref<12x!tpu.dma_semaphore, #tpu.memory_space<semaphore_mem>> -> memref<1x!tpu.dma_semaphore, #tpu.memory_space<semaphore_mem>>
          %dma_wait3A_445 = tpu.memref_squeeze %dma_wait3A_444 : memref<1x!tpu.dma_semaphore, #tpu.memory_space<semaphore_mem>> -> memref<!tpu.dma_semaphore, #tpu.memory_space<semaphore_mem>>
          %dma_wait3A_446 = tpu.memref_slice %arg9[%add3A_433, %add3A_438] : memref<51200x1056xf32, #tpu.memory_space<hbm>> -> memref<80x32xf32, #tpu.memory_space<hbm>>
          %dma_wait3A_447 = arith.constant 0 : i32
          %dma_wait3A_448 = arith.constant 0 : i32
          %dma_wait3A_449 = tpu.memref_slice %arg14[%rem3A_341, %dma_wait3A_447, %dma_wait3A_448] : memref<12x80x32xf32, #tpu.memory_space<vmem>> -> memref<1x80x32xf32, #tpu.memory_space<vmem>>
          %dma_wait3A_450 = tpu.memref_squeeze %dma_wait3A_449 : memref<1x80x32xf32, #tpu.memory_space<vmem>> -> memref<80x32xf32, #tpu.memory_space<vmem>>
          tpu.wait_dma2 semaphore(%dma_wait3A_445 : memref<!tpu.dma_semaphore, #tpu.memory_space<semaphore_mem>>) src(%dma_wait3A_450 : memref<80x32xf32, #tpu.memory_space<vmem>>) dst(%dma_wait3A_446 : memref<80x32xf32, #tpu.memory_space<hbm>>)
        } else {
        }
        %get3A = arith.index_cast %scan3A_340 : i32 to index
        %get3A_353 = arith.constant 0 : index
        %get3A_354 = tpu.vector_load %arg11[%get3A, %get3A_353] {strides = array<i32>} : memref<100x80xi32, #tpu.memory_space<vmem>>, vector<16xi32>,
        %reduce_min3A = arith.constant true
        %reduce_min3A_355 = vector.broadcast %reduce_min3A : i1 to vector<16xi1>
        %reduce_min3A_356 = arith.constant -2147483648 : i32
        %reduce_min3A_357 = vector.broadcast %reduce_min3A_356 : i32 to vector<16xi32>
        %reduce_min3A_358 = arith.xori %get3A_354, %reduce_min3A_357 : vector<16xi32>
        %reduce_min3A_359 = tpu.scan <min>, %reduce_min3A_358 masked %reduce_min3A_355 : vector<16xi32>, vector<16xi1> -> vector<16xi32>
        %reduce_min3A_360 = arith.xori %reduce_min3A_359, %reduce_min3A_357 : vector<16xi32>
        %reduce_min3A_361 = vector.extract %reduce_min3A_360[15] : i32 from vector<16xi32>
        %min3A = arith.constant 1 : i32
        %min3A_362 = arith.minsi %min3A, %reduce_min3A_361 : i32
        %get3A_363 = arith.index_cast %scan3A_340 : i32 to index
        %get3A_364 = arith.constant 16 : index
        %get3A_365 = tpu.vector_load %arg11[%get3A_363, %get3A_364] {strides = array<i32>} : memref<100x80xi32, #tpu.memory_space<vmem>>, vector<16xi32>,
        %reduce_min3A_366 = arith.constant true
        %reduce_min3A_367 = vector.broadcast %reduce_min3A_366 : i1 to vector<16xi1>
        %reduce_min3A_368 = arith.constant -2147483648 : i32
        %reduce_min3A_369 = vector.broadcast %reduce_min3A_368 : i32 to vector<16xi32>
        %reduce_min3A_370 = arith.xori %get3A_365, %reduce_min3A_369 : vector<16xi32>
        %reduce_min3A_371 = tpu.scan <min>, %reduce_min3A_370 masked %reduce_min3A_367 : vector<16xi32>, vector<16xi1> -> vector<16xi32>
        %reduce_min3A_372 = arith.xori %reduce_min3A_371, %reduce_min3A_369 : vector<16xi32>
        %reduce_min3A_373 = vector.extract %reduce_min3A_372[15] : i32 from vector<16xi32>
        %min3A_374 = arith.minsi %min3A_362, %reduce_min3A_373 : i32
        %get3A_375 = arith.index_cast %scan3A_340 : i32 to index
        %get3A_376 = arith.constant 32 : index
        %get3A_377 = tpu.vector_load %arg11[%get3A_375, %get3A_376] {strides = array<i32>} : memref<100x80xi32, #tpu.memory_space<vmem>>, vector<16xi32>,
        %reduce_min3A_378 = arith.constant true
        %reduce_min3A_379 = vector.broadcast %reduce_min3A_378 : i1 to vector<16xi1>
        %reduce_min3A_380 = arith.constant -2147483648 : i32
        %reduce_min3A_381 = vector.broadcast %reduce_min3A_380 : i32 to vector<16xi32>
        %reduce_min3A_382 = arith.xori %get3A_377, %reduce_min3A_381 : vector<16xi32>
        %reduce_min3A_383 = tpu.scan <min>, %reduce_min3A_382 masked %reduce_min3A_379 : vector<16xi32>, vector<16xi1> -> vector<16xi32>
        %reduce_min3A_384 = arith.xori %reduce_min3A_383, %reduce_min3A_381 : vector<16xi32>
        %reduce_min3A_385 = vector.extract %reduce_min3A_384[15] : i32 from vector<16xi32>
        %min3A_386 = arith.minsi %min3A_374, %reduce_min3A_385 : i32
        %get3A_387 = arith.index_cast %scan3A_340 : i32 to index
        %get3A_388 = arith.constant 48 : index
        %get3A_389 = tpu.vector_load %arg11[%get3A_387, %get3A_388] {strides = array<i32>} : memref<100x80xi32, #tpu.memory_space<vmem>>, vector<16xi32>,
        %reduce_min3A_390 = arith.constant true
        %reduce_min3A_391 = vector.broadcast %reduce_min3A_390 : i1 to vector<16xi1>
        %reduce_min3A_392 = arith.constant -2147483648 : i32
        %reduce_min3A_393 = vector.broadcast %reduce_min3A_392 : i32 to vector<16xi32>
        %reduce_min3A_394 = arith.xori %get3A_389, %reduce_min3A_393 : vector<16xi32>
        %reduce_min3A_395 = tpu.scan <min>, %reduce_min3A_394 masked %reduce_min3A_391 : vector<16xi32>, vector<16xi1> -> vector<16xi32>
        %reduce_min3A_396 = arith.xori %reduce_min3A_395, %reduce_min3A_393 : vector<16xi32>
        %reduce_min3A_397 = vector.extract %reduce_min3A_396[15] : i32 from vector<16xi32>
        %min3A_398 = arith.minsi %min3A_386, %reduce_min3A_397 : i32
        %get3A_399 = arith.index_cast %scan3A_340 : i32 to index
        %get3A_400 = arith.constant 64 : index
        %get3A_401 = tpu.vector_load %arg11[%get3A_399, %get3A_400] {strides = array<i32>} : memref<100x80xi32, #tpu.memory_space<vmem>>, vector<16xi32>,
        %reduce_min3A_402 = arith.constant true
        %reduce_min3A_403 = vector.broadcast %reduce_min3A_402 : i1 to vector<16xi1>
        %reduce_min3A_404 = arith.constant -2147483648 : i32
        %reduce_min3A_405 = vector.broadcast %reduce_min3A_404 : i32 to vector<16xi32>
        %reduce_min3A_406 = arith.xori %get3A_401, %reduce_min3A_405 : vector<16xi32>
        %reduce_min3A_407 = tpu.scan <min>, %reduce_min3A_406 masked %reduce_min3A_403 : vector<16xi32>, vector<16xi1> -> vector<16xi32>
        %reduce_min3A_408 = arith.xori %reduce_min3A_407, %reduce_min3A_405 : vector<16xi32>
        %reduce_min3A_409 = vector.extract %reduce_min3A_408[15] : i32 from vector<16xi32>
        %min3A_410 = arith.minsi %min3A_398, %reduce_min3A_409 : i32
        %eq3A = arith.constant 0 : i32
        %eq3A_411 = arith.cmpi eq, %min3A_410, %eq3A : i32
        %convert_element_type3A_412 = arith.extui %eq3A_411 : i1 to i32
        %cond3A_413 = arith.constant 0 : i32
        %cond3A_414 = arith.cmpi ne, %convert_element_type3A_412, %cond3A_413 : i32
        scf.if %cond3A_414 {
          %broadcast_in_dim3A = arith.constant 0.000000e+00 : f32
          %broadcast_in_dim3A_428 = vector.broadcast %broadcast_in_dim3A : f32 to vector<16xf32>
          %scan3A_429 = arith.constant 0 : i32
          %scan3A_430 = arith.constant 0 : i32
          %scan3A_431 = arith.constant 80 : i32
          %scan3A_432 = arith.addi %scan3A_430, %scan3A_431 : i32
          %scan3A_433 = arith.constant 1 : i32
          scf.for %scan3A_435 = %scan3A_430 to %scan3A_432 step %scan3A_433  : i32 {
            %swap3A = arith.index_cast %rem3A_341 : i32 to index
            %swap3A_436 = arith.index_cast %scan3A_435 : i32 to index
            %swap3A_437 = arith.constant 0 : index
            %swap3A_438 = tpu.vector_load %arg14[%swap3A, %swap3A_436, %swap3A_437] {strides = array<i32>} : memref<12x80x32xf32, #tpu.memory_space<vmem>>, vector<16xf32>,
            tpu.vector_store %arg14[%swap3A, %swap3A_436, %swap3A_437], %broadcast_in_dim3A_428 {strides = array<i32>} : memref<12x80x32xf32, #tpu.memory_space<vmem>>, vector<16xf32>,
            %swap3A_439 = arith.index_cast %rem3A_341 : i32 to index
            %swap3A_440 = arith.index_cast %scan3A_435 : i32 to index
            %swap3A_441 = arith.constant 16 : index
            %swap3A_442 = tpu.vector_load %arg14[%swap3A_439, %swap3A_440, %swap3A_441] {strides = array<i32>} : memref<12x80x32xf32, #tpu.memory_space<vmem>>, vector<16xf32>,
            tpu.vector_store %arg14[%swap3A_439, %swap3A_440, %swap3A_441], %broadcast_in_dim3A_428 {strides = array<i32>} : memref<12x80x32xf32, #tpu.memory_space<vmem>>, vector<16xf32>,
          }
          %scan3A_434 = arith.constant 80 : i32
        } else {
        }
        %dma_start3A_415 = arith.constant 0 : i32
        %dma_start3A_416 = arith.constant 0 : i32
        %dma_start3A_417 = tpu.memref_slice %arg14[%rem3A_341, %dma_start3A_415, %dma_start3A_416] : memref<12x80x32xf32, #tpu.memory_space<vmem>> -> memref<1x80x32xf32, #tpu.memory_space<vmem>>
        %dma_start3A_418 = tpu.memref_squeeze %dma_start3A_417 : memref<1x80x32xf32, #tpu.memory_space<vmem>> -> memref<80x32xf32, #tpu.memory_space<vmem>>
        %dma_start3A_419 = arith.constant 0 : i32
        %dma_start3A_420 = tpu.memref_slice %arg11[%scan3A_340, %dma_start3A_419] : memref<100x80xi32, #tpu.memory_space<vmem>> -> memref<1x80xi32, #tpu.memory_space<vmem>>
        %dma_start3A_421 = tpu.memref_squeeze %dma_start3A_420 : memref<1x80xi32, #tpu.memory_space<vmem>> -> memref<80xi32, #tpu.memory_space<vmem>>
        %dma_start3A_422 = arith.constant 0 : i32
        %dma_start3A_423 = arith.constant 0 : i32
        %dma_start3A_424 = tpu.memref_slice %arg3[%dma_start3A_422, %dma_start3A_423] : memref<100000x32xf32, #tpu.memory_space<hbm>> -> memref<100000x32xf32, #tpu.memory_space<hbm>>
        %dma_start3A_425 = arith.constant 0 : i32
        %dma_start3A_426 = tpu.memref_slice %arg17[%rem3A_341] : memref<12x!tpu.dma_semaphore, #tpu.memory_space<semaphore_mem>> -> memref<1x!tpu.dma_semaphore, #tpu.memory_space<semaphore_mem>>
        %dma_start3A_427 = tpu.memref_squeeze %dma_start3A_426 : memref<1x!tpu.dma_semaphore, #tpu.memory_space<semaphore_mem>> -> memref<!tpu.dma_semaphore, #tpu.memory_space<semaphore_mem>>
        tpu.enqueue_indirect_dma source(%dma_start3A_424 : memref<100000x32xf32, #tpu.memory_space<hbm>>) target(%dma_start3A_418 : memref<80x32xf32, #tpu.memory_space<vmem>>) offsets(%dma_start3A_421 : memref<80xi32, #tpu.memory_space<vmem>>) offset_filter(%dma_start3A_425) semaphore(%dma_start3A_427 : memref<!tpu.dma_semaphore, #tpu.memory_space<semaphore_mem>>)
      } else {
      }
      %ge3A = arith.constant 6 : i32
      %ge3A_344 = arith.cmpi sge, %scan3A_340, %ge3A : i32
      %convert_element_type3A_345 = arith.extui %ge3A_344 : i1 to i32
      %cond3A_346 = arith.constant 0 : i32
      %cond3A_347 = arith.cmpi ne, %convert_element_type3A_345, %cond3A_346 : i32
      scf.if %cond3A_347 {
        %sub3A = arith.constant 6 : i32
        %sub3A_348 = arith.subi %scan3A_340, %sub3A : i32
        %rem3A_349 = arith.constant 12 : i32
        %rem3A_350 = arith.remsi %sub3A_348, %rem3A_349 : i32
        %dma_wait3A_351 = arith.constant 0 : i32
        %dma_wait3A_352 = arith.constant 0 : i32
        %dma_wait3A_353 = tpu.memref_slice %arg14[%rem3A_350, %dma_wait3A_351, %dma_wait3A_352] : memref<12x80x32xf32, #tpu.memory_space<vmem>> -> memref<1x80x32xf32, #tpu.memory_space<vmem>>
        %dma_wait3A_354 = tpu.memref_squeeze %dma_wait3A_353 : memref<1x80x32xf32, #tpu.memory_space<vmem>> -> memref<80x32xf32, #tpu.memory_space<vmem>>
        %dma_wait3A_355 = arith.constant 0 : i32
        %dma_wait3A_356 = tpu.memref_slice %arg11[%sub3A_348, %dma_wait3A_355] : memref<100x80xi32, #tpu.memory_space<vmem>> -> memref<1x80xi32, #tpu.memory_space<vmem>>
        %dma_wait3A_357 = tpu.memref_squeeze %dma_wait3A_356 : memref<1x80xi32, #tpu.memory_space<vmem>> -> memref<80xi32, #tpu.memory_space<vmem>>
        %dma_wait3A_358 = arith.constant 0 : i32
        %dma_wait3A_359 = arith.constant 0 : i32
        %dma_wait3A_360 = tpu.memref_slice %arg3[%dma_wait3A_358, %dma_wait3A_359] : memref<100000x32xf32, #tpu.memory_space<hbm>> -> memref<100000x32xf32, #tpu.memory_space<hbm>>
        %dma_wait3A_361 = tpu.memref_slice %arg17[%rem3A_350] : memref<12x!tpu.dma_semaphore, #tpu.memory_space<semaphore_mem>> -> memref<1x!tpu.dma_semaphore, #tpu.memory_space<semaphore_mem>>
        %dma_wait3A_362 = tpu.memref_squeeze %dma_wait3A_361 : memref<1x!tpu.dma_semaphore, #tpu.memory_space<semaphore_mem>> -> memref<!tpu.dma_semaphore, #tpu.memory_space<semaphore_mem>>
        tpu.wait_indirect_dma semaphore(%dma_wait3A_362 : memref<!tpu.dma_semaphore, #tpu.memory_space<semaphore_mem>>) src(%dma_wait3A_360 : memref<100000x32xf32, #tpu.memory_space<hbm>>) dst(%dma_wait3A_354 : memref<80x32xf32, #tpu.memory_space<vmem>>)
        %rem3A_363 = arith.constant 20 : i32
        %rem3A_364 = arith.remsi %sub3A_348, %rem3A_363 : i32
        %mul3A_365 = arith.constant 80 : i32
        %mul3A_366 = arith.muli %rem3A_364, %mul3A_365 : i32
        %add3A_367 = arith.addi %mul3A_2, %mul3A_366 : i32
        %div3A = arith.constant 20 : i32
        %div3A_368 = arith.divsi %sub3A_348, %div3A : i32
        %mul3A_369 = arith.constant 32 : i32
        %mul3A_370 = arith.muli %div3A_368, %mul3A_369 : i32
        %add3A_371 = arith.constant 640 : i32
        %add3A_372 = arith.addi %add3A_371, %mul3A_370 : i32
        %dma_start3A_373 = arith.constant 0 : i32
        %dma_start3A_374 = arith.constant 0 : i32
        %dma_start3A_375 = tpu.memref_slice %arg14[%rem3A_350, %dma_start3A_373, %dma_start3A_374] : memref<12x80x32xf32, #tpu.memory_space<vmem>> -> memref<1x80x32xf32, #tpu.memory_space<vmem>>
        %dma_start3A_376 = tpu.memref_squeeze %dma_start3A_375 : memref<1x80x32xf32, #tpu.memory_space<vmem>> -> memref<80x32xf32, #tpu.memory_space<vmem>>
        %dma_start3A_377 = tpu.memref_slice %arg9[%add3A_367, %add3A_372] : memref<51200x1056xf32, #tpu.memory_space<hbm>> -> memref<80x32xf32, #tpu.memory_space<hbm>>
        %dma_start3A_378 = tpu.memref_slice %arg18[%rem3A_350] : memref<12x!tpu.dma_semaphore, #tpu.memory_space<semaphore_mem>> -> memref<1x!tpu.dma_semaphore, #tpu.memory_space<semaphore_mem>>
        %dma_start3A_379 = tpu.memref_squeeze %dma_start3A_378 : memref<1x!tpu.dma_semaphore, #tpu.memory_space<semaphore_mem>> -> memref<!tpu.dma_semaphore, #tpu.memory_space<semaphore_mem>>
        %dma_start3A_380 = tpu.memref_slice %arg9[%add3A_367, %add3A_372] : memref<51200x1056xf32, #tpu.memory_space<hbm>> -> memref<80x32xf32, #tpu.memory_space<hbm>>
        %dma_start3A_381 = arith.constant 0 : i32
        %dma_start3A_382 = arith.constant 0 : i32
        %dma_start3A_383 = tpu.memref_slice %arg14[%rem3A_350, %dma_start3A_381, %dma_start3A_382] : memref<12x80x32xf32, #tpu.memory_space<vmem>> -> memref<1x80x32xf32, #tpu.memory_space<vmem>>
        %dma_start3A_384 = tpu.memref_squeeze %dma_start3A_383 : memref<1x80x32xf32, #tpu.memory_space<vmem>> -> memref<80x32xf32, #tpu.memory_space<vmem>>
        tpu.enqueue_dma source(%dma_start3A_384 : memref<80x32xf32, #tpu.memory_space<vmem>>) target(%dma_start3A_380 : memref<80x32xf32, #tpu.memory_space<hbm>>) target_semaphore(%dma_start3A_379 : memref<!tpu.dma_semaphore, #tpu.memory_space<semaphore_mem>>)
      } else {
      }
    }
    %scan3A_315 = arith.constant 106 : i32
    %scan3A_316 = arith.constant 0 : i32
    %scan3A_317 = arith.constant 0 : i32
    %scan3A_318 = arith.constant 12 : i32
    %scan3A_319 = arith.addi %scan3A_317, %scan3A_318 : i32
    %scan3A_320 = arith.constant 1 : i32
    scf.for %scan3A_340 = %scan3A_317 to %scan3A_319 step %scan3A_320  : i32 {
      %add3A_341 = arith.constant 88 : i32
      %add3A_342 = arith.addi %add3A_341, %scan3A_340 : i32
      %rem3A = arith.constant 12 : i32
      %rem3A_343 = arith.remsi %add3A_342, %rem3A : i32
      %rem3A_344 = arith.constant 20 : i32
      %rem3A_345 = arith.remsi %add3A_342, %rem3A_344 : i32
      %mul3A_346 = arith.constant 80 : i32
      %mul3A_347 = arith.muli %rem3A_345, %mul3A_346 : i32
      %add3A_348 = arith.addi %mul3A_2, %mul3A_347 : i32
      %div3A = arith.constant 20 : i32
      %div3A_349 = arith.divsi %add3A_342, %div3A : i32
      %mul3A_350 = arith.constant 32 : i32
      %mul3A_351 = arith.muli %div3A_349, %mul3A_350 : i32
      %add3A_352 = arith.constant 640 : i32
      %add3A_353 = arith.addi %add3A_352, %mul3A_351 : i32
      %dma_wait3A_354 = arith.constant 0 : i32
      %dma_wait3A_355 = arith.constant 0 : i32
      %dma_wait3A_356 = tpu.memref_slice %arg14[%rem3A_343, %dma_wait3A_354, %dma_wait3A_355] : memref<12x80x32xf32, #tpu.memory_space<vmem>> -> memref<1x80x32xf32, #tpu.memory_space<vmem>>
      %dma_wait3A_357 = tpu.memref_squeeze %dma_wait3A_356 : memref<1x80x32xf32, #tpu.memory_space<vmem>> -> memref<80x32xf32, #tpu.memory_space<vmem>>
      %dma_wait3A_358 = tpu.memref_slice %arg9[%add3A_348, %add3A_353] : memref<51200x1056xf32, #tpu.memory_space<hbm>> -> memref<80x32xf32, #tpu.memory_space<hbm>>
      %dma_wait3A_359 = tpu.memref_slice %arg18[%rem3A_343] : memref<12x!tpu.dma_semaphore, #tpu.memory_space<semaphore_mem>> -> memref<1x!tpu.dma_semaphore, #tpu.memory_space<semaphore_mem>>
      %dma_wait3A_360 = tpu.memref_squeeze %dma_wait3A_359 : memref<1x!tpu.dma_semaphore, #tpu.memory_space<semaphore_mem>> -> memref<!tpu.dma_semaphore, #tpu.memory_space<semaphore_mem>>
      %dma_wait3A_361 = tpu.memref_slice %arg9[%add3A_348, %add3A_353] : memref<51200x1056xf32, #tpu.memory_space<hbm>> -> memref<80x32xf32, #tpu.memory_space<hbm>>
      %dma_wait3A_362 = arith.constant 0 : i32
      %dma_wait3A_363 = arith.constant 0 : i32
      %dma_wait3A_364 = tpu.memref_slice %arg14[%rem3A_343, %dma_wait3A_362, %dma_wait3A_363] : memref<12x80x32xf32, #tpu.memory_space<vmem>> -> memref<1x80x32xf32, #tpu.memory_space<vmem>>
      %dma_wait3A_365 = tpu.memref_squeeze %dma_wait3A_364 : memref<1x80x32xf32, #tpu.memory_space<vmem>> -> memref<80x32xf32, #tpu.memory_space<vmem>>
      tpu.wait_dma2 semaphore(%dma_wait3A_360 : memref<!tpu.dma_semaphore, #tpu.memory_space<semaphore_mem>>) src(%dma_wait3A_365 : memref<80x32xf32, #tpu.memory_space<vmem>>) dst(%dma_wait3A_361 : memref<80x32xf32, #tpu.memory_space<hbm>>)
    }
    %scan3A_321 = arith.constant 12 : i32
    %scan3A_322 = arith.constant 0 : i32
    %scan3A_323 = arith.constant 0 : i32
    %scan3A_324 = arith.constant 26 : i32
    %scan3A_325 = arith.addi %scan3A_323, %scan3A_324 : i32
    %scan3A_326 = arith.constant 1 : i32
    scf.for %scan3A_340 = %scan3A_323 to %scan3A_325 step %scan3A_326  : i32 {
      %rem3A = arith.constant 12 : i32
      %rem3A_341 = arith.remsi %scan3A_340, %rem3A : i32
      %lt3A = arith.constant 20 : i32
      %lt3A_342 = arith.cmpi slt, %scan3A_340, %lt3A : i32
      %convert_element_type3A = arith.extui %lt3A_342 : i1 to i32
      %cond3A = arith.constant 0 : i32
      %cond3A_343 = arith.cmpi ne, %convert_element_type3A, %cond3A : i32
      scf.if %cond3A_343 {
        %ge3A_348 = arith.constant 12 : i32
        %ge3A_349 = arith.cmpi sge, %scan3A_340, %ge3A_348 : i32
        %convert_element_type3A_350 = arith.extui %ge3A_349 : i1 to i32
        %cond3A_351 = arith.constant 0 : i32
        %cond3A_352 = arith.cmpi ne, %convert_element_type3A_350, %cond3A_351 : i32
        scf.if %cond3A_352 {
          %sub3A = arith.constant 12 : i32
          %sub3A_428 = arith.subi %scan3A_340, %sub3A : i32
          %rem3A_429 = arith.constant 20 : i32
          %rem3A_430 = arith.remsi %sub3A_428, %rem3A_429 : i32
          %mul3A_431 = arith.constant 80 : i32
          %mul3A_432 = arith.muli %rem3A_430, %mul3A_431 : i32
          %add3A_433 = arith.addi %mul3A_2, %mul3A_432 : i32
          %div3A = arith.constant 20 : i32
          %div3A_434 = arith.divsi %sub3A_428, %div3A : i32
          %mul3A_435 = arith.constant 32 : i32
          %mul3A_436 = arith.muli %div3A_434, %mul3A_435 : i32
          %add3A_437 = arith.constant 992 : i32
          %add3A_438 = arith.addi %add3A_437, %mul3A_436 : i32
          %dma_wait3A_439 = arith.constant 0 : i32
          %dma_wait3A_440 = arith.constant 0 : i32
          %dma_wait3A_441 = tpu.memref_slice %arg14[%rem3A_341, %dma_wait3A_439, %dma_wait3A_440] : memref<12x80x32xf32, #tpu.memory_space<vmem>> -> memref<1x80x32xf32, #tpu.memory_space<vmem>>
          %dma_wait3A_442 = tpu.memref_squeeze %dma_wait3A_441 : memref<1x80x32xf32, #tpu.memory_space<vmem>> -> memref<80x32xf32, #tpu.memory_space<vmem>>
          %dma_wait3A_443 = tpu.memref_slice %arg9[%add3A_433, %add3A_438] : memref<51200x1056xf32, #tpu.memory_space<hbm>> -> memref<80x32xf32, #tpu.memory_space<hbm>>
          %dma_wait3A_444 = tpu.memref_slice %arg18[%rem3A_341] : memref<12x!tpu.dma_semaphore, #tpu.memory_space<semaphore_mem>> -> memref<1x!tpu.dma_semaphore, #tpu.memory_space<semaphore_mem>>
          %dma_wait3A_445 = tpu.memref_squeeze %dma_wait3A_444 : memref<1x!tpu.dma_semaphore, #tpu.memory_space<semaphore_mem>> -> memref<!tpu.dma_semaphore, #tpu.memory_space<semaphore_mem>>
          %dma_wait3A_446 = tpu.memref_slice %arg9[%add3A_433, %add3A_438] : memref<51200x1056xf32, #tpu.memory_space<hbm>> -> memref<80x32xf32, #tpu.memory_space<hbm>>
          %dma_wait3A_447 = arith.constant 0 : i32
          %dma_wait3A_448 = arith.constant 0 : i32
          %dma_wait3A_449 = tpu.memref_slice %arg14[%rem3A_341, %dma_wait3A_447, %dma_wait3A_448] : memref<12x80x32xf32, #tpu.memory_space<vmem>> -> memref<1x80x32xf32, #tpu.memory_space<vmem>>
          %dma_wait3A_450 = tpu.memref_squeeze %dma_wait3A_449 : memref<1x80x32xf32, #tpu.memory_space<vmem>> -> memref<80x32xf32, #tpu.memory_space<vmem>>
          tpu.wait_dma2 semaphore(%dma_wait3A_445 : memref<!tpu.dma_semaphore, #tpu.memory_space<semaphore_mem>>) src(%dma_wait3A_450 : memref<80x32xf32, #tpu.memory_space<vmem>>) dst(%dma_wait3A_446 : memref<80x32xf32, #tpu.memory_space<hbm>>)
        } else {
        }
        %get3A = arith.index_cast %scan3A_340 : i32 to index
        %get3A_353 = arith.constant 0 : index
        %get3A_354 = tpu.vector_load %arg12[%get3A, %get3A_353] {strides = array<i32>} : memref<20x80xi32, #tpu.memory_space<vmem>>, vector<16xi32>,
        %reduce_min3A = arith.constant true
        %reduce_min3A_355 = vector.broadcast %reduce_min3A : i1 to vector<16xi1>
        %reduce_min3A_356 = arith.constant -2147483648 : i32
        %reduce_min3A_357 = vector.broadcast %reduce_min3A_356 : i32 to vector<16xi32>
        %reduce_min3A_358 = arith.xori %get3A_354, %reduce_min3A_357 : vector<16xi32>
        %reduce_min3A_359 = tpu.scan <min>, %reduce_min3A_358 masked %reduce_min3A_355 : vector<16xi32>, vector<16xi1> -> vector<16xi32>
        %reduce_min3A_360 = arith.xori %reduce_min3A_359, %reduce_min3A_357 : vector<16xi32>
        %reduce_min3A_361 = vector.extract %reduce_min3A_360[15] : i32 from vector<16xi32>
        %min3A = arith.constant 1 : i32
        %min3A_362 = arith.minsi %min3A, %reduce_min3A_361 : i32
        %get3A_363 = arith.index_cast %scan3A_340 : i32 to index
        %get3A_364 = arith.constant 16 : index
        %get3A_365 = tpu.vector_load %arg12[%get3A_363, %get3A_364] {strides = array<i32>} : memref<20x80xi32, #tpu.memory_space<vmem>>, vector<16xi32>,
        %reduce_min3A_366 = arith.constant true
        %reduce_min3A_367 = vector.broadcast %reduce_min3A_366 : i1 to vector<16xi1>
        %reduce_min3A_368 = arith.constant -2147483648 : i32
        %reduce_min3A_369 = vector.broadcast %reduce_min3A_368 : i32 to vector<16xi32>
        %reduce_min3A_370 = arith.xori %get3A_365, %reduce_min3A_369 : vector<16xi32>
        %reduce_min3A_371 = tpu.scan <min>, %reduce_min3A_370 masked %reduce_min3A_367 : vector<16xi32>, vector<16xi1> -> vector<16xi32>
        %reduce_min3A_372 = arith.xori %reduce_min3A_371, %reduce_min3A_369 : vector<16xi32>
        %reduce_min3A_373 = vector.extract %reduce_min3A_372[15] : i32 from vector<16xi32>
        %min3A_374 = arith.minsi %min3A_362, %reduce_min3A_373 : i32
        %get3A_375 = arith.index_cast %scan3A_340 : i32 to index
        %get3A_376 = arith.constant 32 : index
        %get3A_377 = tpu.vector_load %arg12[%get3A_375, %get3A_376] {strides = array<i32>} : memref<20x80xi32, #tpu.memory_space<vmem>>, vector<16xi32>,
        %reduce_min3A_378 = arith.constant true
        %reduce_min3A_379 = vector.broadcast %reduce_min3A_378 : i1 to vector<16xi1>
        %reduce_min3A_380 = arith.constant -2147483648 : i32
        %reduce_min3A_381 = vector.broadcast %reduce_min3A_380 : i32 to vector<16xi32>
        %reduce_min3A_382 = arith.xori %get3A_377, %reduce_min3A_381 : vector<16xi32>
        %reduce_min3A_383 = tpu.scan <min>, %reduce_min3A_382 masked %reduce_min3A_379 : vector<16xi32>, vector<16xi1> -> vector<16xi32>
        %reduce_min3A_384 = arith.xori %reduce_min3A_383, %reduce_min3A_381 : vector<16xi32>
        %reduce_min3A_385 = vector.extract %reduce_min3A_384[15] : i32 from vector<16xi32>
        %min3A_386 = arith.minsi %min3A_374, %reduce_min3A_385 : i32
        %get3A_387 = arith.index_cast %scan3A_340 : i32 to index
        %get3A_388 = arith.constant 48 : index
        %get3A_389 = tpu.vector_load %arg12[%get3A_387, %get3A_388] {strides = array<i32>} : memref<20x80xi32, #tpu.memory_space<vmem>>, vector<16xi32>,
        %reduce_min3A_390 = arith.constant true
        %reduce_min3A_391 = vector.broadcast %reduce_min3A_390 : i1 to vector<16xi1>
        %reduce_min3A_392 = arith.constant -2147483648 : i32
        %reduce_min3A_393 = vector.broadcast %reduce_min3A_392 : i32 to vector<16xi32>
        %reduce_min3A_394 = arith.xori %get3A_389, %reduce_min3A_393 : vector<16xi32>
        %reduce_min3A_395 = tpu.scan <min>, %reduce_min3A_394 masked %reduce_min3A_391 : vector<16xi32>, vector<16xi1> -> vector<16xi32>
        %reduce_min3A_396 = arith.xori %reduce_min3A_395, %reduce_min3A_393 : vector<16xi32>
        %reduce_min3A_397 = vector.extract %reduce_min3A_396[15] : i32 from vector<16xi32>
        %min3A_398 = arith.minsi %min3A_386, %reduce_min3A_397 : i32
        %get3A_399 = arith.index_cast %scan3A_340 : i32 to index
        %get3A_400 = arith.constant 64 : index
        %get3A_401 = tpu.vector_load %arg12[%get3A_399, %get3A_400] {strides = array<i32>} : memref<20x80xi32, #tpu.memory_space<vmem>>, vector<16xi32>,
        %reduce_min3A_402 = arith.constant true
        %reduce_min3A_403 = vector.broadcast %reduce_min3A_402 : i1 to vector<16xi1>
        %reduce_min3A_404 = arith.constant -2147483648 : i32
        %reduce_min3A_405 = vector.broadcast %reduce_min3A_404 : i32 to vector<16xi32>
        %reduce_min3A_406 = arith.xori %get3A_401, %reduce_min3A_405 : vector<16xi32>
        %reduce_min3A_407 = tpu.scan <min>, %reduce_min3A_406 masked %reduce_min3A_403 : vector<16xi32>, vector<16xi1> -> vector<16xi32>
        %reduce_min3A_408 = arith.xori %reduce_min3A_407, %reduce_min3A_405 : vector<16xi32>
        %reduce_min3A_409 = vector.extract %reduce_min3A_408[15] : i32 from vector<16xi32>
        %min3A_410 = arith.minsi %min3A_398, %reduce_min3A_409 : i32
        %eq3A = arith.constant 0 : i32
        %eq3A_411 = arith.cmpi eq, %min3A_410, %eq3A : i32
        %convert_element_type3A_412 = arith.extui %eq3A_411 : i1 to i32
        %cond3A_413 = arith.constant 0 : i32
        %cond3A_414 = arith.cmpi ne, %convert_element_type3A_412, %cond3A_413 : i32
        scf.if %cond3A_414 {
          %broadcast_in_dim3A = arith.constant 0.000000e+00 : f32
          %broadcast_in_dim3A_428 = vector.broadcast %broadcast_in_dim3A : f32 to vector<16xf32>
          %scan3A_429 = arith.constant 0 : i32
          %scan3A_430 = arith.constant 0 : i32
          %scan3A_431 = arith.constant 80 : i32
          %scan3A_432 = arith.addi %scan3A_430, %scan3A_431 : i32
          %scan3A_433 = arith.constant 1 : i32
          scf.for %scan3A_435 = %scan3A_430 to %scan3A_432 step %scan3A_433  : i32 {
            %swap3A = arith.index_cast %rem3A_341 : i32 to index
            %swap3A_436 = arith.index_cast %scan3A_435 : i32 to index
            %swap3A_437 = arith.constant 0 : index
            %swap3A_438 = tpu.vector_load %arg14[%swap3A, %swap3A_436, %swap3A_437] {strides = array<i32>} : memref<12x80x32xf32, #tpu.memory_space<vmem>>, vector<16xf32>,
            tpu.vector_store %arg14[%swap3A, %swap3A_436, %swap3A_437], %broadcast_in_dim3A_428 {strides = array<i32>} : memref<12x80x32xf32, #tpu.memory_space<vmem>>, vector<16xf32>,
            %swap3A_439 = arith.index_cast %rem3A_341 : i32 to index
            %swap3A_440 = arith.index_cast %scan3A_435 : i32 to index
            %swap3A_441 = arith.constant 16 : index
            %swap3A_442 = tpu.vector_load %arg14[%swap3A_439, %swap3A_440, %swap3A_441] {strides = array<i32>} : memref<12x80x32xf32, #tpu.memory_space<vmem>>, vector<16xf32>,
            tpu.vector_store %arg14[%swap3A_439, %swap3A_440, %swap3A_441], %broadcast_in_dim3A_428 {strides = array<i32>} : memref<12x80x32xf32, #tpu.memory_space<vmem>>, vector<16xf32>,
          }
          %scan3A_434 = arith.constant 80 : i32
        } else {
        }
        %dma_start3A_415 = arith.constant 0 : i32
        %dma_start3A_416 = arith.constant 0 : i32
        %dma_start3A_417 = tpu.memref_slice %arg14[%rem3A_341, %dma_start3A_415, %dma_start3A_416] : memref<12x80x32xf32, #tpu.memory_space<vmem>> -> memref<1x80x32xf32, #tpu.memory_space<vmem>>
        %dma_start3A_418 = tpu.memref_squeeze %dma_start3A_417 : memref<1x80x32xf32, #tpu.memory_space<vmem>> -> memref<80x32xf32, #tpu.memory_space<vmem>>
        %dma_start3A_419 = arith.constant 0 : i32
        %dma_start3A_420 = tpu.memref_slice %arg12[%scan3A_340, %dma_start3A_419] : memref<20x80xi32, #tpu.memory_space<vmem>> -> memref<1x80xi32, #tpu.memory_space<vmem>>
        %dma_start3A_421 = tpu.memref_squeeze %dma_start3A_420 : memref<1x80xi32, #tpu.memory_space<vmem>> -> memref<80xi32, #tpu.memory_space<vmem>>
        %dma_start3A_422 = arith.constant 0 : i32
        %dma_start3A_423 = arith.constant 0 : i32
        %dma_start3A_424 = tpu.memref_slice %arg4[%dma_start3A_422, %dma_start3A_423] : memref<8x32xf32, #tpu.memory_space<hbm>> -> memref<8x32xf32, #tpu.memory_space<hbm>>
        %dma_start3A_425 = arith.constant 0 : i32
        %dma_start3A_426 = tpu.memref_slice %arg17[%rem3A_341] : memref<12x!tpu.dma_semaphore, #tpu.memory_space<semaphore_mem>> -> memref<1x!tpu.dma_semaphore, #tpu.memory_space<semaphore_mem>>
        %dma_start3A_427 = tpu.memref_squeeze %dma_start3A_426 : memref<1x!tpu.dma_semaphore, #tpu.memory_space<semaphore_mem>> -> memref<!tpu.dma_semaphore, #tpu.memory_space<semaphore_mem>>
        tpu.enqueue_indirect_dma source(%dma_start3A_424 : memref<8x32xf32, #tpu.memory_space<hbm>>) target(%dma_start3A_418 : memref<80x32xf32, #tpu.memory_space<vmem>>) offsets(%dma_start3A_421 : memref<80xi32, #tpu.memory_space<vmem>>) offset_filter(%dma_start3A_425) semaphore(%dma_start3A_427 : memref<!tpu.dma_semaphore, #tpu.memory_space<semaphore_mem>>)
      } else {
      }
      %ge3A = arith.constant 6 : i32
      %ge3A_344 = arith.cmpi sge, %scan3A_340, %ge3A : i32
      %convert_element_type3A_345 = arith.extui %ge3A_344 : i1 to i32
      %cond3A_346 = arith.constant 0 : i32
      %cond3A_347 = arith.cmpi ne, %convert_element_type3A_345, %cond3A_346 : i32
      scf.if %cond3A_347 {
        %sub3A = arith.constant 6 : i32
        %sub3A_348 = arith.subi %scan3A_340, %sub3A : i32
        %rem3A_349 = arith.constant 12 : i32
        %rem3A_350 = arith.remsi %sub3A_348, %rem3A_349 : i32
        %dma_wait3A_351 = arith.constant 0 : i32
        %dma_wait3A_352 = arith.constant 0 : i32
        %dma_wait3A_353 = tpu.memref_slice %arg14[%rem3A_350, %dma_wait3A_351, %dma_wait3A_352] : memref<12x80x32xf32, #tpu.memory_space<vmem>> -> memref<1x80x32xf32, #tpu.memory_space<vmem>>
        %dma_wait3A_354 = tpu.memref_squeeze %dma_wait3A_353 : memref<1x80x32xf32, #tpu.memory_space<vmem>> -> memref<80x32xf32, #tpu.memory_space<vmem>>
        %dma_wait3A_355 = arith.constant 0 : i32
        %dma_wait3A_356 = tpu.memref_slice %arg12[%sub3A_348, %dma_wait3A_355] : memref<20x80xi32, #tpu.memory_space<vmem>> -> memref<1x80xi32, #tpu.memory_space<vmem>>
        %dma_wait3A_357 = tpu.memref_squeeze %dma_wait3A_356 : memref<1x80xi32, #tpu.memory_space<vmem>> -> memref<80xi32, #tpu.memory_space<vmem>>
        %dma_wait3A_358 = arith.constant 0 : i32
        %dma_wait3A_359 = arith.constant 0 : i32
        %dma_wait3A_360 = tpu.memref_slice %arg4[%dma_wait3A_358, %dma_wait3A_359] : memref<8x32xf32, #tpu.memory_space<hbm>> -> memref<8x32xf32, #tpu.memory_space<hbm>>
        %dma_wait3A_361 = tpu.memref_slice %arg17[%rem3A_350] : memref<12x!tpu.dma_semaphore, #tpu.memory_space<semaphore_mem>> -> memref<1x!tpu.dma_semaphore, #tpu.memory_space<semaphore_mem>>
        %dma_wait3A_362 = tpu.memref_squeeze %dma_wait3A_361 : memref<1x!tpu.dma_semaphore, #tpu.memory_space<semaphore_mem>> -> memref<!tpu.dma_semaphore, #tpu.memory_space<semaphore_mem>>
        tpu.wait_indirect_dma semaphore(%dma_wait3A_362 : memref<!tpu.dma_semaphore, #tpu.memory_space<semaphore_mem>>) src(%dma_wait3A_360 : memref<8x32xf32, #tpu.memory_space<hbm>>) dst(%dma_wait3A_354 : memref<80x32xf32, #tpu.memory_space<vmem>>)
        %rem3A_363 = arith.constant 20 : i32
        %rem3A_364 = arith.remsi %sub3A_348, %rem3A_363 : i32
        %mul3A_365 = arith.constant 80 : i32
        %mul3A_366 = arith.muli %rem3A_364, %mul3A_365 : i32
        %add3A_367 = arith.addi %mul3A_2, %mul3A_366 : i32
        %div3A = arith.constant 20 : i32
        %div3A_368 = arith.divsi %sub3A_348, %div3A : i32
        %mul3A_369 = arith.constant 32 : i32
        %mul3A_370 = arith.muli %div3A_368, %mul3A_369 : i32
        %add3A_371 = arith.constant 992 : i32
        %add3A_372 = arith.addi %add3A_371, %mul3A_370 : i32
        %dma_start3A_373 = arith.constant 0 : i32
        %dma_start3A_374 = arith.constant 0 : i32
        %dma_start3A_375 = tpu.memref_slice %arg14[%rem3A_350, %dma_start3A_373, %dma_start3A_374] : memref<12x80x32xf32, #tpu.memory_space<vmem>> -> memref<1x80x32xf32, #tpu.memory_space<vmem>>
        %dma_start3A_376 = tpu.memref_squeeze %dma_start3A_375 : memref<1x80x32xf32, #tpu.memory_space<vmem>> -> memref<80x32xf32, #tpu.memory_space<vmem>>
        %dma_start3A_377 = tpu.memref_slice %arg9[%add3A_367, %add3A_372] : memref<51200x1056xf32, #tpu.memory_space<hbm>> -> memref<80x32xf32, #tpu.memory_space<hbm>>
        %dma_start3A_378 = tpu.memref_slice %arg18[%rem3A_350] : memref<12x!tpu.dma_semaphore, #tpu.memory_space<semaphore_mem>> -> memref<1x!tpu.dma_semaphore, #tpu.memory_space<semaphore_mem>>
        %dma_start3A_379 = tpu.memref_squeeze %dma_start3A_378 : memref<1x!tpu.dma_semaphore, #tpu.memory_space<semaphore_mem>> -> memref<!tpu.dma_semaphore, #tpu.memory_space<semaphore_mem>>
        %dma_start3A_380 = tpu.memref_slice %arg9[%add3A_367, %add3A_372] : memref<51200x1056xf32, #tpu.memory_space<hbm>> -> memref<80x32xf32, #tpu.memory_space<hbm>>
        %dma_start3A_381 = arith.constant 0 : i32
        %dma_start3A_382 = arith.constant 0 : i32
        %dma_start3A_383 = tpu.memref_slice %arg14[%rem3A_350, %dma_start3A_381, %dma_start3A_382] : memref<12x80x32xf32, #tpu.memory_space<vmem>> -> memref<1x80x32xf32, #tpu.memory_space<vmem>>
        %dma_start3A_384 = tpu.memref_squeeze %dma_start3A_383 : memref<1x80x32xf32, #tpu.memory_space<vmem>> -> memref<80x32xf32, #tpu.memory_space<vmem>>
        tpu.enqueue_dma source(%dma_start3A_384 : memref<80x32xf32, #tpu.memory_space<vmem>>) target(%dma_start3A_380 : memref<80x32xf32, #tpu.memory_space<hbm>>) target_semaphore(%dma_start3A_379 : memref<!tpu.dma_semaphore, #tpu.memory_space<semaphore_mem>>)
      } else {
      }
    }
    %scan3A_327 = arith.constant 26 : i32
    %scan3A_328 = arith.constant 0 : i32
    %scan3A_329 = arith.constant 0 : i32
    %scan3A_330 = arith.constant 12 : i32
    %scan3A_331 = arith.addi %scan3A_329, %scan3A_330 : i32
    %scan3A_332 = arith.constant 1 : i32
    scf.for %scan3A_340 = %scan3A_329 to %scan3A_331 step %scan3A_332  : i32 {
      %add3A_341 = arith.constant 8 : i32
      %add3A_342 = arith.addi %add3A_341, %scan3A_340 : i32
      %rem3A = arith.constant 12 : i32
      %rem3A_343 = arith.remsi %add3A_342, %rem3A : i32
      %rem3A_344 = arith.constant 20 : i32
      %rem3A_345 = arith.remsi %add3A_342, %rem3A_344 : i32
      %mul3A_346 = arith.constant 80 : i32
      %mul3A_347 = arith.muli %rem3A_345, %mul3A_346 : i32
      %add3A_348 = arith.addi %mul3A_2, %mul3A_347 : i32
      %div3A = arith.constant 20 : i32
      %div3A_349 = arith.divsi %add3A_342, %div3A : i32
      %mul3A_350 = arith.constant 32 : i32
      %mul3A_351 = arith.muli %div3A_349, %mul3A_350 : i32
      %add3A_352 = arith.constant 992 : i32
      %add3A_353 = arith.addi %add3A_352, %mul3A_351 : i32
      %dma_wait3A_354 = arith.constant 0 : i32
      %dma_wait3A_355 = arith.constant 0 : i32
      %dma_wait3A_356 = tpu.memref_slice %arg14[%rem3A_343, %dma_wait3A_354, %dma_wait3A_355] : memref<12x80x32xf32, #tpu.memory_space<vmem>> -> memref<1x80x32xf32, #tpu.memory_space<vmem>>
      %dma_wait3A_357 = tpu.memref_squeeze %dma_wait3A_356 : memref<1x80x32xf32, #tpu.memory_space<vmem>> -> memref<80x32xf32, #tpu.memory_space<vmem>>
      %dma_wait3A_358 = tpu.memref_slice %arg9[%add3A_348, %add3A_353] : memref<51200x1056xf32, #tpu.memory_space<hbm>> -> memref<80x32xf32, #tpu.memory_space<hbm>>
      %dma_wait3A_359 = tpu.memref_slice %arg18[%rem3A_343] : memref<12x!tpu.dma_semaphore, #tpu.memory_space<semaphore_mem>> -> memref<1x!tpu.dma_semaphore, #tpu.memory_space<semaphore_mem>>
      %dma_wait3A_360 = tpu.memref_squeeze %dma_wait3A_359 : memref<1x!tpu.dma_semaphore, #tpu.memory_space<semaphore_mem>> -> memref<!tpu.dma_semaphore, #tpu.memory_space<semaphore_mem>>
      %dma_wait3A_361 = tpu.memref_slice %arg9[%add3A_348, %add3A_353] : memref<51200x1056xf32, #tpu.memory_space<hbm>> -> memref<80x32xf32, #tpu.memory_space<hbm>>
      %dma_wait3A_362 = arith.constant 0 : i32
      %dma_wait3A_363 = arith.constant 0 : i32
      %dma_wait3A_364 = tpu.memref_slice %arg14[%rem3A_343, %dma_wait3A_362, %dma_wait3A_363] : memref<12x80x32xf32, #tpu.memory_space<vmem>> -> memref<1x80x32xf32, #tpu.memory_space<vmem>>
      %dma_wait3A_365 = tpu.memref_squeeze %dma_wait3A_364 : memref<1x80x32xf32, #tpu.memory_space<vmem>> -> memref<80x32xf32, #tpu.memory_space<vmem>>
      tpu.wait_dma2 semaphore(%dma_wait3A_360 : memref<!tpu.dma_semaphore, #tpu.memory_space<semaphore_mem>>) src(%dma_wait3A_365 : memref<80x32xf32, #tpu.memory_space<vmem>>) dst(%dma_wait3A_361 : memref<80x32xf32, #tpu.memory_space<hbm>>)
    }
    %scan3A_333 = arith.constant 12 : i32
    %scan3A_334 = arith.constant 0 : i32
    %scan3A_335 = arith.constant 0 : i32
    %scan3A_336 = arith.constant 16 : i32
    %scan3A_337 = arith.addi %scan3A_335, %scan3A_336 : i32
    %scan3A_338 = arith.constant 1 : i32
    scf.for %scan3A_340 = %scan3A_335 to %scan3A_337 step %scan3A_338  : i32 {
      %mul3A_341 = arith.constant 100 : i32
      %mul3A_342 = arith.muli %scan3A_340, %mul3A_341 : i32
      %add3A_343 = arith.addi %mul3A_2, %mul3A_342 : i32
      %dma_wait3A_344 = arith.constant 0 : i32
      %dma_wait3A_345 = arith.constant 0 : i32
      %dma_wait3A_346 = tpu.memref_slice %arg13[%dma_wait3A_344, %dma_wait3A_345] : memref<100x320xf32, #tpu.memory_space<vmem>> -> memref<100x160xf32, #tpu.memory_space<vmem>>
      %dma_wait3A_347 = arith.constant 0 : i32
      %dma_wait3A_348 = tpu.memref_slice %arg9[%add3A_343, %dma_wait3A_347] : memref<51200x1056xf32, #tpu.memory_space<hbm>> -> memref<100x160xf32, #tpu.memory_space<hbm>>
      %dma_wait3A_349 = arith.constant 0 : i32
      %dma_wait3A_350 = tpu.memref_slice %arg9[%add3A_343, %dma_wait3A_349] : memref<51200x1056xf32, #tpu.memory_space<hbm>> -> memref<100x160xf32, #tpu.memory_space<hbm>>
      %dma_wait3A_351 = arith.constant 0 : i32
      %dma_wait3A_352 = arith.constant 0 : i32
      %dma_wait3A_353 = tpu.memref_slice %arg13[%dma_wait3A_351, %dma_wait3A_352] : memref<100x320xf32, #tpu.memory_space<vmem>> -> memref<100x160xf32, #tpu.memory_space<vmem>>
      tpu.wait_dma2 semaphore(%arg16 : memref<!tpu.dma_semaphore, #tpu.memory_space<semaphore_mem>>) src(%dma_wait3A_353 : memref<100x160xf32, #tpu.memory_space<vmem>>) dst(%dma_wait3A_350 : memref<100x160xf32, #tpu.memory_space<hbm>>)
      %dma_wait3A_354 = arith.constant 320 : i32
      %dma_wait3A_355 = tpu.memref_slice %arg9[%add3A_343, %dma_wait3A_354] : memref<51200x1056xf32, #tpu.memory_space<hbm>> -> memref<100x320xf32, #tpu.memory_space<hbm>>
      %dma_wait3A_356 = arith.constant 320 : i32
      %dma_wait3A_357 = tpu.memref_slice %arg9[%add3A_343, %dma_wait3A_356] : memref<51200x1056xf32, #tpu.memory_space<hbm>> -> memref<100x320xf32, #tpu.memory_space<hbm>>
      tpu.wait_dma2 semaphore(%arg16 : memref<!tpu.dma_semaphore, #tpu.memory_space<semaphore_mem>>) src(%arg13 : memref<100x320xf32, #tpu.memory_space<vmem>>) dst(%dma_wait3A_357 : memref<100x320xf32, #tpu.memory_space<hbm>>)
      %dma_wait3A_358 = arith.constant 0 : i32
      %dma_wait3A_359 = arith.constant 0 : i32
      %dma_wait3A_360 = tpu.memref_slice %arg13[%dma_wait3A_358, %dma_wait3A_359] : memref<100x320xf32, #tpu.memory_space<vmem>> -> memref<100x192xf32, #tpu.memory_space<vmem>>
      %dma_wait3A_361 = arith.constant 800 : i32
      %dma_wait3A_362 = tpu.memref_slice %arg9[%add3A_343, %dma_wait3A_361] : memref<51200x1056xf32, #tpu.memory_space<hbm>> -> memref<100x192xf32, #tpu.memory_space<hbm>>
      %dma_wait3A_363 = arith.constant 800 : i32
      %dma_wait3A_364 = tpu.memref_slice %arg9[%add3A_343, %dma_wait3A_363] : memref<51200x1056xf32, #tpu.memory_space<hbm>> -> memref<100x192xf32, #tpu.memory_space<hbm>>
      %dma_wait3A_365 = arith.constant 0 : i32
      %dma_wait3A_366 = arith.constant 0 : i32
      %dma_wait3A_367 = tpu.memref_slice %arg13[%dma_wait3A_365, %dma_wait3A_366] : memref<100x320xf32, #tpu.memory_space<vmem>> -> memref<100x192xf32, #tpu.memory_space<vmem>>
      tpu.wait_dma2 semaphore(%arg16 : memref<!tpu.dma_semaphore, #tpu.memory_space<semaphore_mem>>) src(%dma_wait3A_367 : memref<100x192xf32, #tpu.memory_space<vmem>>) dst(%dma_wait3A_364 : memref<100x192xf32, #tpu.memory_space<hbm>>)
      %dma_wait3A_368 = arith.constant 0 : i32
      %dma_wait3A_369 = arith.constant 0 : i32
      %dma_wait3A_370 = tpu.memref_slice %arg13[%dma_wait3A_368, %dma_wait3A_369] : memref<100x320xf32, #tpu.memory_space<vmem>> -> memref<100x32xf32, #tpu.memory_space<vmem>>
      %dma_wait3A_371 = arith.constant 1024 : i32
      %dma_wait3A_372 = tpu.memref_slice %arg9[%add3A_343, %dma_wait3A_371] : memref<51200x1056xf32, #tpu.memory_space<hbm>> -> memref<100x32xf32, #tpu.memory_space<hbm>>
      %dma_wait3A_373 = arith.constant 1024 : i32
      %dma_wait3A_374 = tpu.memref_slice %arg9[%add3A_343, %dma_wait3A_373] : memref<51200x1056xf32, #tpu.memory_space<hbm>> -> memref<100x32xf32, #tpu.memory_space<hbm>>
      %dma_wait3A_375 = arith.constant 0 : i32
      %dma_wait3A_376 = arith.constant 0 : i32
      %dma_wait3A_377 = tpu.memref_slice %arg13[%dma_wait3A_375, %dma_wait3A_376] : memref<100x320xf32, #tpu.memory_space<vmem>> -> memref<100x32xf32, #tpu.memory_space<vmem>>
      tpu.wait_dma2 semaphore(%arg16 : memref<!tpu.dma_semaphore, #tpu.memory_space<semaphore_mem>>) src(%dma_wait3A_377 : memref<100x32xf32, #tpu.memory_space<vmem>>) dst(%dma_wait3A_374 : memref<100x32xf32, #tpu.memory_space<hbm>>)
    }
    %scan3A_339 = arith.constant 16 : i32
    return
  }
}

</mosaic_0001>

<sc_bundles>
// kernel: _run.3.cloned.1.call-start
scs
__scs_entry_jumppad:
0x0: {  	(pc) =	sbr.rel $0x88, $3  }
0x1: {  	(tag) =	ssettag $0x0;
	lr =	simm.s32 $0x1  }
0x2: {  	[smem:$0x3F9A] =	sst lr;
	_ =	strace $0xD0000000  }
0x3: {  	_ = 	snop  }
0x4: {  	_ = 	snop  }
0x5: {  	_ = 	snop  }
0x6: {  	_ = 	snop  }
0x7: {  	_ = 	snop  }
__scs_overlays_trampoline_lowered:
0x8: {  	[smem:$0x3FA9] =	sst s0  }
0x9: {  	[smem:$0x3FAA] =	sst s1  }
0xa: {  	[smem:$0x3FAB] =	sst s2  }
0xb: {  	[smem:$0x3FAC] =	sst s3  }
0xc: {  	[smem:$0x3FAD] =	sst s4  }
0xd: {  	[smem:$0x3FAE] =	sst s5  }
0xe: {  	[smem:$0x3FAF] =	sst s6  }
0xf: {  	[smem:$0x3FB0] =	sst s7  }
0x10: {  	[smem:$0x3FB1] =	sst s8  }
0x11: {  	[smem:$0x3FB2] =	sst s9;
	s0 =	simm.s32 @!p0 $0x0  }
0x12: {  	s1 =	sld [smem:$0x3F98];
	s0 =	simm.s32 @p0 $0x1  }
0x13: {  	[smem:$0x3FB3] =	sst s0;
	s0 =	simm.s32 @!p1 $0x0  }
0x14: {  	s2 =	sld [smem:$0x3F97];
	s0 =	simm.s32 @p1 $0x1  }
0x15: {  	[smem:$0x3FB4] =	sst s0;
	s0 =	simm.s32 @!p2 $0x0  }
0x16: {  	s3 =	sld [smem:$0x3FDB];
	s0 =	simm.s32 @p2 $0x1  }
0x17: {  	s4 =	simm.s32 $0x1BF5;
	[smem:$0x3FB6] =	sst s0  }
0x18: {  	s0 =	sld [smem:$0x3F99];
	_ =	swait.ge [sflag:s4], $0x0  }
0x19: {  	s7 =	sld [smem:$0x3F9A]  }
0x1a: {  	s8 =	sadd.s32 $0xFFFFE003, lr  }
0x1b: {  	s9 =	sadd.s32 $0xFFFFFEF7, lr;
	s5 =	simm.s32 $0xFFFFFFFF;
	p2 =	slt.u32 s8, $0xFFFFF086  }
0x1c: {  	p1 =	slt.u32 s9, $0xF7A;
	s5 =	simm.s32 @!p2 $0x0  }
0x1d: {  	s5 =	simm.s32 @p1 $0x1;
	p0 =	seq.s32 s7, s2  }
0x1e: {  	s7 =	smul.u32 @!p0 $0xF7A, s2;
	p2 =	seq.s32 @!p0 s5, $0x0  }
0x1f: {  	s9 =	smul.u32 $0xF7A, s1;
	s8 =	simm.s32 @!p0 $0x1BF5;
	p2 =	por !p2, p0  }
0x20: {  	[sflag:s8] =	ssyncset.s32 @!p0 $0xFFFFF086;
	s6 =	sadd.s32 @!p0 s3, s7;
	s7 =	simm.s32 @!p0 $0x108  }
0x21: {  	s3 =	sadd.s32 s3, s9;
	s6 =	sadd.s32 @!p0 $0x88, s6;
	s7 =	simm.s32 @p2 $0x1082  }
0x22: {  	[simem:s7], [sflag:s8] =	dma.local @!p0 [hbm:s6], $0xF7A  }
0x23: {  	s9 =	sor.u32 $0xD0000000, s2;
	s6 =	simm.s32 $0x108;
	_ =	swait.ge @!p0 [sflag:s8], $0x0  }
0x24: {  	s3 =	sadd.s32 $0x88, s3;
	s6 =	simm.s32 @!p1 $0x1082;
	[sflag:s4] =	ssyncset.s32 $0xFFFFF086  }
0x25: {  	[simem:s6], [sflag:s4] =	dma.local [hbm:s3], $0xF7A  }
0x26: {  	[smem:$0x3F9A] =	sst s1;
	(tag) =	ssettag s2;
	_ =	strace s9  }
0x27: {  	s1 =	sld [smem:$0x3FAA]  }
0x28: {  	s2 =	sld [smem:$0x3FAB]  }
0x29: {  	s4 =	sld [smem:$0x3FAD]  }
0x2a: {  	p0 =	seq.s32 s5, $0x0;
	s5 =	sld [smem:$0x3FAE]  }
0x2b: {  	s6 =	sld [smem:$0x3FAF]  }
0x2c: {  	s7 =	sld [smem:$0x3FB0]  }
0x2d: {  	s3 =	simm.s32 $0x108;
	s8 =	sld [smem:$0x3FB1]  }
0x2e: {  	s3 =	simm.s32 @!p0 $0x1082;
	s9 =	sld [smem:$0x3FB2]  }
0x2f: {  	lr =	sadd.s32 s0, s3;
	s0 =	sld [smem:$0x3FA9]  }
0x30: {  	s3 =	sld [smem:$0x3FAC]  }
0x31: {  	[smem:$0x3FB5] =	sst s10  }
0x32: {  	s10 =	sld [smem:$0x3FB3];
	_ =	sdelay $0x3  }
0x33: {  	p0 =	seq.s32 s10, $0x1;
	s10 =	sld [smem:$0x3FB5];
	_ =	sdelay $0x3  }
0x34: {  	[smem:$0x3FB5] =	sst s10  }
0x35: {  	s10 =	sld [smem:$0x3FB4];
	_ =	sdelay $0x3  }
0x36: {  	p1 =	seq.s32 s10, $0x1;
	s10 =	sld [smem:$0x3FB5];
	_ =	sdelay $0x3  }
0x37: {  	[smem:$0x3FB5] =	sst s10  }
0x38: {  	s10 =	sld [smem:$0x3FB6]  }
0x39: {  	_ = 	snop;
	(pc) =	sbr.ind lr, $3  }
0x3a: {  	_ = 	snop  }
0x3b: {  	_ = 	snop  }
0x3c: {  	p2 =	seq.s32 s10, $0x1;
	s10 =	sld [smem:$0x3FB5]  }
0x3d: {  	_ =	shalt  }
0x3e: {  	_ =	shalt  }
0x3f: {  	_ =	shalt  }
0x40: {  	_ =	shalt  }
0x41: {  	_ =	shalt  }
0x42: {  	_ =	shalt  }
0x43: {  	_ =	shalt  }
0x44: {  	_ =	shalt  }
0x45: {  	_ =	shalt  }
0x46: {  	_ =	shalt  }
0x47: {  	_ =	shalt  }
0x48: {  	_ =	shalt  }
0x49: {  	_ =	shalt  }
0x4a: {  	_ =	shalt  }
0x4b: {  	_ =	shalt  }
0x4c: {  	_ =	shalt  }
0x4d: {  	_ =	shalt  }
0x4e: {  	_ =	shalt  }
0x4f: {  	_ =	shalt  }
0x50: {  	_ =	shalt  }
0x51: {  	_ =	shalt  }
0x52: {  	_ =	shalt  }
0x53: {  	_ =	shalt  }
0x54: {  	_ =	shalt  }
0x55: {  	_ =	shalt  }
0x56: {  	_ =	shalt  }
0x57: {  	_ =	shalt  }
0x58: {  	_ =	shalt  }
0x59: {  	_ =	shalt  }
0x5a: {  	_ =	shalt  }
0x5b: {  	_ =	shalt  }
0x5c: {  	_ =	shalt  }
0x5d: {  	_ =	shalt  }
0x5e: {  	_ =	shalt  }
0x5f: {  	_ =	shalt  }
0x60: {  	_ =	shalt  }
0x61: {  	_ =	shalt  }
0x62: {  	_ =	shalt  }
0x63: {  	_ =	shalt  }
0x64: {  	_ =	shalt  }
0x65: {  	_ =	shalt  }
0x66: {  	_ =	shalt  }
0x67: {  	_ =	shalt  }
0x68: {  	_ =	shalt  }
0x69: {  	_ =	shalt  }
0x6a: {  	_ =	shalt  }
0x6b: {  	_ =	shalt  }
0x6c: {  	_ =	shalt  }
0x6d: {  	_ =	shalt  }
0x6e: {  	_ =	shalt  }
0x6f: {  	_ =	shalt  }
0x70: {  	_ =	shalt  }
0x71: {  	_ =	shalt  }
0x72: {  	_ =	shalt  }
0x73: {  	_ =	shalt  }
0x74: {  	_ =	shalt  }
0x75: {  	_ =	shalt  }
0x76: {  	_ =	shalt  }
0x77: {  	_ =	shalt  }
0x78: {  	_ =	shalt  }
0x79: {  	_ =	shalt  }
0x7a: {  	_ =	shalt  }
0x7b: {  	_ =	shalt  }
0x7c: {  	_ =	shalt  }
0x7d: {  	_ =	shalt  }
0x7e: {  	_ =	shalt  }
0x7f: {  	_ =	shalt  }
0x80: {  	_ =	shalt  }
0x81: {  	_ =	shalt  }
0x82: {  	_ =	shalt  }
0x83: {  	_ =	shalt  }
0x84: {  	_ =	shalt  }
0x85: {  	_ =	shalt  }
0x86: {  	_ =	shalt  }
0x87: {  	_ =	shalt  }
.Lfunc_end0:
.L_simem_size_0:
called_computation.1_lowered:
.L_overlay_start_0:
0x88: {  	s2 =	sld [smem:$0x3FD9]  }
0x89: {  	s3 =	sld [smem:$0x3FFE];
	_ =	sdelay $0x1  }
0x8a: {  	s1 =	srdreg.scid  }
0x8b: {  	s0 =	sand.u32 $0x1, s1  }
0x8c: {  	s17 =	sshll.u32 s0, $0xA;
	s2 =	sadd.s32 s3, s2  }
0x8d: {  	s2 =	sadd.s32 s2, s17  }
0x8e: {  	[smem:$0x3FC1] =	sst s2  }
0x8f: {  	_ = 	snop  }
0x90: {  	s2 =	sld [smem:$0x3FD0];
	(tm) =	ssettm $0x1  }
0x91: {  	s18 =	sld [smem:$0x3FFB];
	_ =	sdelay $0x3  }
0x92: {  	_ =	strace s18  }
0x93: {  	s3 =	sld [smem:$0x3FFC];
	_ =	sdelay $0x3  }
0x94: {  	_ =	strace s3  }
0x95: {  	s3 =	sld [smem:$0x3FFD];
	_ =	sdelay $0x3  }
0x96: {  	_ =	strace s3  }
0x97: {  	_ =	strace $0x8FFFFFFF  }
0x98: {  	s19 =	sld [smem:$0x3FDB];
	_ =	sdelay $0x1  }
0x99: {  	s4 =	simm.s32 $_scs_section_size  }
0x9a: {  	s5 =	simm.s32 $_size__tile_overlayer_lowered;
	s6 =	simm.s32 $_tile_overlayer_lowered  }
0x9b: {  	s22 =	simm.s32 $0x1BFF;
	s21 =	sshll.u32 s6, $0x1;
	s3 =	sadd.s32 s4, s19  }
0x9c: {  	s7 =	simm.s32 $0x0;
	s20 =	sshll.u32 s5, $0x1;
	s5 =	sadd.s32 s21, s3  }
0x9d: {  	[timem:s7], [sflag:s22] =	dma.local [hbm:s5], s20  }
0x9e: {  	_ =	swait.ge [sflag:s22], s20  }
0x9f: {  	s4 =	ssub.s32 $0x0, s20;
	[sflag:s22] =	ssyncset.done $0x0  }
0xa0: {  	[sflag:s22] =	ssyncadd.s32 s4;
	_ =	sdelay $0x1  }
0xa1: {  	s23 =	simm.s32 $0x1B8B  }
0xa2: {  	_ =	swait.ge [sflag:s23], $0x1  }
0xa3: {  	[sflag:s23] =	ssyncset.done $0x0  }
0xa4: {  	s25 =	simm.s32 $0x1B8E;
	s24 =	sld [smem:$0x3FFE];
	[sflag:s23] =	ssyncadd.s32 $0xFFFFFFFF  }
0xa5: {  	s26 =	simm.s32 $execute0_lowered;
	[smem:$0x3FD2] =	sst s25  }
0xa6: {  	s5 =	sshll.u32 s26, $0x1;
	_ =	strace $0x80000046;
	[dreg:$0x1] =	wrdreg $0xFFFFFFFF  }
0xa7: {  	s28 =	simm.s32 $_size_execute0_lowered;
	s3 =	sadd.s32 s3, s5;
	[dreg:$0x0] =	wrdreg $0x0  }
0xa8: {  	s5 =	sshll.u32 s28, $0x1;
	[dreg:$0x2] =	wrdreg s3  }
0xa9: {  	[dreg:$0x3] =	wrdreg s5  }
0xaa: {  	[dreg:$0x4] =	wrdreg $0xC0  }
0xab: {  	_ =	task [dreg:s7], $0x5FFFF  }
0xac: {  	[dreg:$0x1] =	wrdreg $0xFFFFFFFF  }
0xad: {  	[dreg:$0x0] =	wrdreg $0x60  }
0xae: {  	[dreg:$0x2] =	wrdreg s24  }
0xaf: {  	[dreg:$0x3] =	wrdreg s2  }
0xb0: {  	[dreg:$0x4] =	wrdreg $0x9  }
0xb1: {  	_ =	task.clear_ibuf [dreg:s7], $0x5FFFF;
	_ =	strace $0x90000046  }
0xb2: {  	s29 =	simm.s32 $0x9;
	_ =	strace $0x80000048  }
0xb3: {  	_ =	swait.ge [sflag:s29], $0x1  }
0xb4: {  	[sflag:s29] =	ssyncadd.s32 $0xFFFFFFFF  }
0xb5: {  	_ =	strace $0x90000048  }
0xb6: {  	_ =	sfence  }
0xb7: {  	s30 =	sld [smem:$0x0];
	_ =	sdelay $0x2  }
0xb8: {  	s31 =	sshll.u32 s1, $0xD;
	s1 =	sshrl.u32 s1, $0x2  }
0xb9: {  	s3 =	sand.u32 $0x4000, s31;
	s1 =	sadd.s32 s1, s30  }
0xba: {  	s0 =	sor.u32 s3, s0;
	s1 =	sshll.u32 s1, $0x11  }
0xbb: {  	s0 =	sor.u32 s1, s0  }
0xbc: {  	s0 =	sadd.s32 $0x8F2B, s0  }
0xbd: {  	[sflag:s0] =	ssyncadd.remote.s32 $0x1  }
0xbe: {  	_ =	sfence.sel $0xFFFF  }
0xbf: {  	[dreg:$0x0] =	wrdreg $0xFFFFFFFF;
	(pc) =	sbr.abs _section_cstart, $3  }
0xc0: {  	[dreg:$0x1] =	wrdreg $0xFFFFFFFF  }
0xc1: {  	_ =	task.clear_ibuf [dreg:s7], $0x2FFFF;
	_ =	strace $0x9FFFFFFF  }
0xc2: {  	(tm) =	ssettm $0x7FFFFFFF  }
0xc3: {  	_ =	shalt  }
tec
execute0_lowered:
.L_overlay_start_1:
0x0: {  	(tag) =	ssettag $0x1  }
0x1: {  	s0 =	rddreg [dreg:$0x0]  }
0x2: {  	s2 =	rddreg [dreg:$0x1];
	s3 =	simm.s32 $0x0;
	s1 =	srdreg.scid  }
0x3: {  	s4 =	stileid.u32;
	s28 =	simm.s32 $0x20;
	s29 =	simm.s32 $0x17  }
0x4: {  	s30 =	simm.s32 $0x18;
	s31 =	simm.s32 $0x19;
	s13 =	simm.s32 $0x0  }
0x5: {  	[smem:$0x7FF] =	sst s3;
	s1 =	sand.u32 $0x1, s1;
	s5 =	sshll.u32 s4, $0x1  }
0x6: {  	s4 =	sadd.s32 $0x14000, s0;
	s6 =	sadd.s32 $0x1800, s0;
	s7 =	sor.u32 s1, s5  }
0x7: {  	s9 =	sadd.s32 $0x4400, s0;
	s10 =	sadd.s32 $0xC200, s0;
	s8 =	smul.u32 $0xC8, s7  }
0x8: {  	_ =	strace $0x80000047;
	s5 =	sadd.s32 $0x75C00, s0;
	s1 =	ssub.s32 $0x2, s1  }
0x9: {  	s7 =	smul.u32 $0x640, s7;
	s11 =	sadd.s32 s8, s0;
	s0 =	sadd.s32 $0x1A00, s0  }
0xa: {  	s12 =	sshrl.u32 s1, $0x1;
	s18 =	sadd.s32 s9, s8;
	[dreg:$0x3] =	wrdreg s0  }
0xb: {  	s16 =	ssub.s32 s1, s12;
	s8 =	sadd.s32 s10, s8;
	[dreg:$0x4] =	wrdreg s18  }
0xc: {  	s12 =	simm.s32 $0x2;
	s17 =	sshrl.u32 s7, $0x3;
	[dreg:$0x5] =	wrdreg s8  }
0xd: {  	s19 =	sadd.s32 $0x1900, s17;
	s21 =	sadd.s32 $0x3200, s17;
	s26 =	sadd.s32 $0x2A00, s11  }
0xe: {  	s23 =	sadd.s32 $0x4B00, s17;
	s0 =	smax.u32 s16, $0x1;
	[dreg:$0xe] =	wrdreg s26  }
0xf: {  	s1 =	sadd.s32 $0x6400, s17;
	s20 =	sadd.s32 s9, s19;
	[dreg:$0xf] =	wrdreg s0  }
0x10: {  	s11 =	simm.s32 $0x16;
	s8 =	sadd.s32 s10, s19;
	[dreg:$0x6] =	wrdreg s20  }
0x11: {  	s22 =	sadd.s32 s9, s21;
	s24 =	sadd.s32 s9, s23;
	[dreg:$0x7] =	wrdreg s8  }
0x12: {  	s25 =	sadd.s32 s9, s1;
	s1 =	sadd.s32 s10, s1;
	[dreg:$0x8] =	wrdreg s22  }
0x13: {  	s26 =	simm.s32 $0x50;
	s0 =	simm.s32 $0x1A;
	[dreg:$0xa] =	wrdreg s24  }
0x14: {  	s9 =	simm.s32 $0x14;
	s8 =	sadd.s32 s10, s21;
	[dreg:$0xc] =	wrdreg s25  }
0x15: {  	[dreg:$0xd] =	wrdreg s1;
	s22 =	simm.s32 $0x1;
	s24 =	simm.s32 $0x420  }
0x16: {  	s1 =	simm.s32 $0xF;
	s21 =	simm.s32 $0x11;
	s25 =	simm.s32 $0x12  }
0x17: {  	[dreg:$0x9] =	wrdreg s8;
	s8 =	sadd.s32 s10, s23;
	s23 =	simm.s32 $0x140  }
0x18: {  	v0 =	vimm.f32 $0.0e+00;
	s10 =	simm.s32 $0x15;
	[dreg:$0xb] =	wrdreg s8;
	s8 =	simm.s32 $0x13  }
.LBB2_1:
0x19: {  	s14 =	rddreg [dreg:$0x3];
	s15 =	simm.s32 $0x44C0  }
0x1a: {  	[tilespmem:s15], [sflag:$0x1] =	stream.linear.gather [hbm4b:s14+s3], $0x7D00, $0x38;
	[tilespmem:$0x139C0] =	vst v63  }
0x1b: {  	_ =	swait.ge [sflag:s22], $0x7D00  }
0x1c: {  	[sflag:s22] =	ssyncset.done $0x0  }
0x1d: {  	s14 =	simm.s32 $0x0;
	[sflag:s22] =	ssyncadd.s32 $0xFFFF8300  }
.LBB2_2:
0x1e: {  	s15 =	smul.u32 $0x64, s14;
	_ =	sdelay $0x1  }
0x1f: {  	s15 =	sadd.s32 s7, s15  }
0x20: {  	s15 =	smul.u32 $0x420, s15;
	_ =	sdelay $0x1  }
0x21: {  	s15 =	sshrl.u32 s15, $0x3  }
0x22: {  	s16 =	simm.s32 $0x44C0;
	s15 =	sadd.s32 s2, s15  }
0x23: {  	s17 =	simm.s32 $0x84;
	s18 =	simm.s32 $0x4600;
	s19 =	sadd.s32 $0x0, s15  }
.LBB2_3:
0x24: {  	[hbm4b:s19+s3] =	stream.linear.scatter [tilespmem:s16], [sflag:$0x2], $0xA0, $0x38;
	[tilespmem:$0x139C0] =	vst v63  }
0x25: {  	s19 =	smov.u32 s17;
	s16 =	smov.u32 s18;
	p0 =	sne.s32 s17, $0x330C  }
.Ltmp0:
0x26: {  	s17 =	sadd.s32 $0x84, s17;
	(pc) =	sbr.rel @p0 .LBB2_3-.Ltmp0, $2  }
0x27: {  	_ =	sdelay $0x2  }
0x28: {  	s18 =	sadd.s32 $0x140, s18;
	s19 =	sadd.s32 s19, s15  }
0x29: {  	[hbm4b:s19+s3] =	stream.linear.scatter [tilespmem:s16], [sflag:$0x2], $0xA0, $0x38;
	[tilespmem:$0x139C0] =	vst v63  }
0x2a: {  	s17 =	sadd.s32 $0x28, s15;
	s16 =	simm.s32 $0x44C0  }
0x2b: {  	[hbm4b:s17+s23] =	stream.strided.scatter [tilespmem:s16], [sflag:$0x2], $0x7D00, s24, s23, $0x38;
	[tilespmem:$0x139C0] =	vst v63  }
0x2c: {  	s17 =	sadd.s32 $0x64, s15  }
0x2d: {  	s18 =	simm.s32 $0x84;
	s19 =	simm.s32 $0x4600;
	s20 =	sadd.s32 $0x0, s17  }
.LBB2_5:
0x2e: {  	[hbm4b:s20+s3] =	stream.linear.scatter [tilespmem:s16], [sflag:$0x2], $0xC0, $0x38;
	[tilespmem:$0x139C0] =	vst v63  }
0x2f: {  	s20 =	smov.u32 s18;
	s16 =	smov.u32 s19;
	p0 =	sne.s32 s18, $0x330C  }
.Ltmp1:
0x30: {  	s18 =	sadd.s32 $0x84, s18;
	(pc) =	sbr.rel @p0 .LBB2_5-.Ltmp1, $2  }
0x31: {  	_ =	sdelay $0x2  }
0x32: {  	s19 =	sadd.s32 $0x140, s19;
	s20 =	sadd.s32 s20, s17  }
0x33: {  	[hbm4b:s20+s3] =	stream.linear.scatter [tilespmem:s16], [sflag:$0x2], $0xC0, $0x38;
	[tilespmem:$0x139C0] =	vst v63  }
0x34: {  	s15 =	sadd.s32 $0x80, s15;
	s16 =	simm.s32 $0x44C0  }
0x35: {  	s17 =	simm.s32 $0x84;
	s18 =	simm.s32 $0x4600;
	s19 =	sadd.s32 $0x0, s15  }
.LBB2_7:
0x36: {  	[hbm4b:s19+s3] =	stream.linear.scatter [tilespmem:s16], [sflag:$0x2], $0x20, $0x38;
	[tilespmem:$0x139C0] =	vst v63  }
0x37: {  	s19 =	smov.u32 s17;
	s16 =	smov.u32 s18;
	p0 =	sne.s32 s17, $0x330C  }
.Ltmp2:
0x38: {  	s17 =	sadd.s32 $0x84, s17;
	(pc) =	sbr.rel @p0 .LBB2_7-.Ltmp2, $2  }
0x39: {  	_ =	sdelay $0x2  }
0x3a: {  	s18 =	sadd.s32 $0x140, s18;
	s19 =	sadd.s32 s19, s15  }
0x3b: {  	s14 =	sadd.s32 $0x1, s14  }
0x3c: {  	p0 =	sne.s32 s14, $0x10  }
.Ltmp3:
0x3d: {  	_ = 	snop;
	(pc) =	sbr.rel @p0 .LBB2_2-.Ltmp3, $2  }
0x3e: {  	_ =	sdelay $0x2  }
0x3f: {  	[hbm4b:s19+s3] =	stream.linear.scatter [tilespmem:s16], [sflag:$0x2], $0x20, $0x38;
	[tilespmem:$0x139C0] =	vst v63  }
0x40: {  	s15 =	simm.s32 $0x0;
	s14 =	rddreg [dreg:$0x4]  }
0x41: {  	[tilespmem:s15], [sflag:$0x1] =	stream.linear.gather [hbm4b:s14+s15], $0x640, $0x38;
	[tilespmem:$0x139C0] =	vst v63  }
0x42: {  	s18 =	rddreg [dreg:$0x5];
	s16 =	simm.s32 $0x1F40  }
0x43: {  	[tilespmem:s16], [sflag:$0x1] =	stream.linear.gather [hbm4b:s18+s15], $0x640, $0x38;
	[tilespmem:$0x139C0] =	vst v63  }
0x44: {  	s19 =	rddreg [dreg:$0x6];
	s20 =	simm.s32 $0x640  }
0x45: {  	[tilespmem:s20], [sflag:$0x1] =	stream.linear.gather [hbm4b:s19+s15], $0x640, $0x38;
	[tilespmem:$0x139C0] =	vst v63  }
0x46: {  	s17 =	rddreg [dreg:$0x7];
	s18 =	simm.s32 $0x2580  }
0x47: {  	[tilespmem:s18], [sflag:$0x1] =	stream.linear.gather [hbm4b:s17+s15], $0x640, $0x38;
	[tilespmem:$0x139C0] =	vst v63  }
0x48: {  	s19 =	rddreg [dreg:$0x8];
	s20 =	simm.s32 $0xC80  }
0x49: {  	[tilespmem:s20], [sflag:$0x1] =	stream.linear.gather [hbm4b:s19+s15], $0x640, $0x38;
	[tilespmem:$0x139C0] =	vst v63  }
0x4a: {  	s17 =	rddreg [dreg:$0x9];
	s18 =	simm.s32 $0x2BC0  }
0x4b: {  	[tilespmem:s18], [sflag:$0x1] =	stream.linear.gather [hbm4b:s17+s15], $0x640, $0x38;
	[tilespmem:$0x139C0] =	vst v63  }
0x4c: {  	s19 =	rddreg [dreg:$0xa];
	s20 =	simm.s32 $0x12C0  }
0x4d: {  	[tilespmem:s20], [sflag:$0x1] =	stream.linear.gather [hbm4b:s19+s15], $0x640, $0x38;
	[tilespmem:$0x139C0] =	vst v63  }
0x4e: {  	s17 =	rddreg [dreg:$0xb];
	s18 =	simm.s32 $0x3200  }
0x4f: {  	[tilespmem:s18], [sflag:$0x1] =	stream.linear.gather [hbm4b:s17+s15], $0x640, $0x38;
	[tilespmem:$0x139C0] =	vst v63  }
0x50: {  	s19 =	rddreg [dreg:$0xc];
	s20 =	simm.s32 $0x1900  }
0x51: {  	[tilespmem:s20], [sflag:$0x1] =	stream.linear.gather [hbm4b:s19+s15], $0x640, $0x38;
	[tilespmem:$0x139C0] =	vst v63  }
0x52: {  	s17 =	rddreg [dreg:$0xd];
	s18 =	simm.s32 $0x3840  }
0x53: {  	[tilespmem:s18], [sflag:$0x1] =	stream.linear.gather [hbm4b:s17+s15], $0x640, $0x38;
	[tilespmem:$0x139C0] =	vst v63  }
0x54: {  	s19 =	rddreg [dreg:$0xe];
	s20 =	simm.s32 $0x3E80  }
0x55: {  	[tilespmem:s20], [sflag:$0x1] =	stream.linear.gather [hbm4b:s19+s15], $0x640, $0x38;
	[tilespmem:$0x139C0] =	vst v63  }
0x56: {  	_ =	swait.ge [sflag:s22], $0x640  }
0x57: {  	[sflag:s22] =	ssyncset.done $0x0  }
0x58: {  	[sflag:s22] =	ssyncadd.s32 $0xFFFFF9C0  }
0x59: {  	_ =	swait.ge [sflag:s22], $0x640  }
0x5a: {  	[sflag:s22] =	ssyncset.done $0x0  }
0x5b: {  	[sflag:s22] =	ssyncadd.s32 $0xFFFFF9C0  }
0x5c: {  	_ =	swait.ge [sflag:s22], $0x640  }
0x5d: {  	[sflag:s22] =	ssyncset.done $0x0  }
0x5e: {  	[sflag:s22] =	ssyncadd.s32 $0xFFFFF9C0  }
0x5f: {  	_ =	swait.ge [sflag:s22], $0x640  }
0x60: {  	[sflag:s22] =	ssyncset.done $0x0  }
0x61: {  	[sflag:s22] =	ssyncadd.s32 $0xFFFFF9C0  }
0x62: {  	_ =	swait.ge [sflag:s22], $0x640  }
0x63: {  	[sflag:s22] =	ssyncset.done $0x0  }
0x64: {  	[sflag:s22] =	ssyncadd.s32 $0xFFFFF9C0  }
0x65: {  	_ =	swait.ge [sflag:s22], $0x640  }
0x66: {  	[sflag:s22] =	ssyncset.done $0x0  }
0x67: {  	[sflag:s22] =	ssyncadd.s32 $0xFFFFF9C0  }
0x68: {  	_ =	swait.ge [sflag:s22], $0x640  }
0x69: {  	[sflag:s22] =	ssyncset.done $0x0  }
0x6a: {  	[sflag:s22] =	ssyncadd.s32 $0xFFFFF9C0  }
0x6b: {  	_ =	swait.ge [sflag:s22], $0x640  }
0x6c: {  	[sflag:s22] =	ssyncset.done $0x0  }
0x6d: {  	[sflag:s22] =	ssyncadd.s32 $0xFFFFF9C0  }
0x6e: {  	_ =	swait.ge [sflag:s22], $0x640  }
0x6f: {  	[sflag:s22] =	ssyncset.done $0x0  }
0x70: {  	[sflag:s22] =	ssyncadd.s32 $0xFFFFF9C0  }
0x71: {  	_ =	swait.ge [sflag:s22], $0x640  }
.Ltmp4:
0x72: {  	[sflag:s22] =	ssyncset.done $0x0;
	(pc) =	sbr.rel .LBB2_10-.Ltmp4, $4  }
0x73: {  	[sflag:s22] =	ssyncadd.s32 $0xFFFFF9C0  }
0x74: {  	_ =	swait.ge [sflag:s22], $0x640  }
0x75: {  	[sflag:s22] =	ssyncset.done $0x0  }
0x76: {  	s16 =	simm.s32 $0xC1C0;
	[sflag:s22] =	ssyncadd.s32 $0xFFFFF9C0  }
.LBB2_16:
0x77: {  	s14 =	sadd.s32 $0xFFFFFFFA, s15  }
0x78: {  	s17 =	smulhi.u32 $0xCCCCCCCD, s14;
	_ =	sdelay $0x1  }
0x79: {  	s17 =	sshrl.u32 s17, $0x4  }
0x7a: {  	s18 =	smul.u32 $0x14, s17;
	_ =	sdelay $0x1  }
0x7b: {  	s19 =	smulhi.u32 $0xAAAAAAAB, s14;
	s18 =	ssub.s32 s14, s18  }
0x7c: {  	s18 =	smul.u32 $0x50, s18  }
0x7d: {  	s19 =	sshrl.u32 s19, $0x3  }
0x7e: {  	s19 =	smul.u32 $0xC, s19;
	s18 =	sadd.s32 s7, s18  }
0x7f: {  	s18 =	smul.u32 $0x420, s18  }
0x80: {  	s17 =	sshll.u32 s17, $0x5;
	s14 =	ssub.s32 s14, s19  }
0x81: {  	s19 =	sadd.s32 $0x3, s14;
	s20 =	smul.u32 $0x2800, s14;
	s17 =	sadd.s32 s18, s17  }
0x82: {  	s14 =	sadd.s32 $0xF, s14;
	_ =	swait.ge [sflag:s19], $0xA00;
	s17 =	sshrl.u32 s17, $0x3  }
0x83: {  	[sflag:s19] =	ssyncset.done $0x0;
	s18 =	sshrl.u32 s20, $0x2;
	s17 =	sadd.s32 s2, s17  }
0x84: {  	[sflag:s19] =	ssyncadd.s32 $0xFFFFF600;
	s18 =	sadd.s32 $0xC1C0, s18;
	s17 =	sadd.s32 $0x14, s17  }
0x85: {  	[hbm4b:s17+s28] =	stream.strided.scatter [tilespmem:s18], [sflag:s14], $0xA00, s24, s28, $0x38;
	[tilespmem:$0x139C0] =	vst v63  }
.LBB2_17:
0x86: {  	s15 =	sadd.s32 $0x1, s15  }
0x87: {  	p0 =	sne.s32 s15, $0x6A  }
.Ltmp5:
0x88: {  	_ = 	snop;
	(pc) =	sbr.rel @!p0 .LBB2_18-.Ltmp5, $2  }
0x89: {  	_ =	sdelay $0x2  }
0x8a: {  	s16 =	sadd.s32 $0xA00, s16;
	s14 =	simm.s32 $0x0  }
.LBB2_10:
0x8b: {  	p0 =	sgt.u32 s15, $0x63  }
.Ltmp6:
0x8c: {  	_ = 	snop;
	(pc) =	sbr.rel @p0 .LBB2_16-.Ltmp6, $1  }
0x8d: {  	_ =	sdelay $0x3  }
0x8e: {  	s14 =	smul.u32 $0xAB, s15;
	_ =	sdelay $0x1  }
0x8f: {  	s14 =	sshrl.u32 s14, $0xB  }
0x90: {  	s14 =	sand.u32 $0x1F, s14  }
0x91: {  	s14 =	smul.u32 $0xC, s14;
	_ =	sdelay $0x1  }
0x92: {  	s14 =	ssub.s32 s15, s14  }
0x93: {  	p0 =	slt.u32 s15, $0xC;
	s14 =	sand.u32 $0xFF, s14  }
0x94: {  	s17 =	sadd.s32 @!p0 $0xF, s14  }
0x95: {  	s18 =	smul.u32 $0x140, s15;
	_ =	swait.ge @!p0 [sflag:s17], $0xA00  }
0x96: {  	[sflag:s17] =	ssyncset.done @!p0 $0x0  }
0x97: {  	[sflag:s17] =	ssyncadd.s32 @!p0 $0xFFFFF600;
	s17 =	sshra.s32 s18, $0x2  }
0x98: {  	v1 =	vld [tilespmem:s17+$0x0]  }
0x99: {  	v2 =	vld [tilespmem:s17+$0x10];
	_ =	sdelay $0x1  }
0x9a: {  	v3 =	vld [tilespmem:s17+$0x20]  }
0x9b: {  	v4 =	vld [tilespmem:s17+$0x30]  }
0x9c: {  	v1 =	vxor.u32 $0x80000000, v1  }
0x9d: {  	(xrf0) =	vmin.scan.msk.u32 $0xffff, v1;
	v1 =	vxor.u32 $0x80000000, v2  }
0x9e: {  	(xrf0) =	vmin.scan.msk.u32 $0xffff, v1;
	v1 =	vld [tilespmem:s17+$0x40]  }
0x9f: {  	v2 =	vxor.u32 $0x80000000, v3  }
0xa0: {  	(xrf0) =	vmin.scan.msk.u32 $0xffff, v2;
	v2 =	vxor.u32 $0x80000000, v4;
	_ =	sdelay $0x1  }
0xa1: {  	(xrf0) =	vmin.scan.msk.u32 $0xffff, v2  }
0xa2: {  	v2, _, _ =	vpop (xrf0);
	v1 =	vxor.u32 $0x80000000, v1  }
0xa3: {  	(v2sf) =	vpush v2, $0xF;
	v2, _, _ =	vpop (xrf0);
	(xrf0) =	vmin.scan.msk.u32 $0xffff, v1  }
0xa4: {  	(v2sf) =	vpush v2, $0xF  }
0xa5: {  	v1, _, _ =	vpop (xrf0)  }
0xa6: {  	(v2sf) =	vpush v1, $0xF  }
0xa7: {  	v1, _, _ =	vpop (xrf0)  }
0xa8: {  	(v2sf) =	vpush v1, $0xF  }
0xa9: {  	v1, _, _ =	vpop (xrf0)  }
0xaa: {  	(v2sf) =	vpush v1, $0xF;
	_ =	sdelay $0x7  }
0xab: {  	s20 =	spop (v2sf)  }
0xac: {  	s19 =	spop (v2sf)  }
0xad: {  	s18 =	sxor.u32 $0x80000000, s20;
	s19 =	sxor.u32 $0x80000000, s19  }
0xae: {  	s20 =	spop (v2sf);
	p0 =	slt.s32 s18, s19  }
0xaf: {  	s19 =	smov.u32 @p0 s18;
	s18 =	sxor.u32 $0x80000000, s20  }
0xb0: {  	s20 =	spop (v2sf);
	p0 =	slt.s32 s19, s18  }
0xb1: {  	s18 =	smov.u32 @p0 s19;
	s19 =	sxor.u32 $0x80000000, s20  }
0xb2: {  	p0 =	slt.s32 s18, s19;
	s20 =	spop (v2sf)  }
0xb3: {  	s19 =	smov.u32 @p0 s18;
	s18 =	sxor.u32 $0x80000000, s20  }
0xb4: {  	p0 =	slt.s32 s19, s18  }
0xb5: {  	s18 =	smov.u32 @p0 s19  }
0xb6: {  	p0 =	sne.s32 s18, $0x0  }
.Ltmp7:
0xb7: {  	_ = 	snop;
	(pc) =	sbr.rel @p0 .LBB2_15-.Ltmp7, $1  }
0xb8: {  	_ =	sdelay $0x3  }
0xb9: {  	s18 =	smulhi.u32 $0xAAAAAAAB, s15;
	_ =	sdelay $0x1  }
0xba: {  	s18 =	sshrl.u32 s18, $0x3  }
0xbb: {  	s18 =	smul.u32 $0xFFFE2000, s18;
	_ =	sdelay $0x1  }
0xbc: {  	s18 =	sshra.s32 s18, $0x2  }
0xbd: {  	s18 =	sadd.s32 s18, s16  }
0xbe: {  	v1 =	vmov s18;
	_ =	sdelay $0x3  }
0xbf: {  	s19 =	simm.s32 $0x0  }
0xc0: {  	s18 =	simm.s32 $0x80;
	[tilespmem:v1+s19+$0x0 ss:$0x1] =	vst.idx.msk $0xffff, v0  }
.LBB2_13:
0xc1: {  	p0 =	sne.s32 s18, $0x2780;
	[tilespmem:v1+s19+$0x10 ss:$0x1] =	vst.idx.msk $0xffff, v0;
	s19 =	smov.u32 s18;
	s18 =	sadd.s32 $0x80, s18  }
.Ltmp8:
0xc2: {  	(pc) =	sbr.rel @p0 .LBB2_13-.Ltmp8, $3  }
0xc3: {  	_ =	sdelay $0x1  }
0xc4: {  	s19 =	sshra.s32 s19, $0x2  }
0xc5: {  	[tilespmem:v1+s19+$0x0 ss:$0x1] =	vst.idx.msk $0xffff, v0  }
0xc6: {  	_ =	sdelay $0x3  }
0xc7: {  	[tilespmem:v1+s19+$0x10 ss:$0x1] =	vst.idx.msk $0xffff, v0  }
.LBB2_15:
0xc8: {  	s18 =	smul.u32 $0x2800, s14;
	p0 =	slt.u32 s15, $0x6  }
.Ltmp9:
0xc9: {  	_ = 	snop;
	(pc) =	sbr.rel @p0 .LBB2_17-.Ltmp9, $4  }
.Ltmp10:
0xca: {  	_ = 	snop;
	(pc) =	sbr.rel @!p0 .LBB2_16-.Ltmp10, $4  }
0xcb: {  	(ifvalue) =	ssetifvalue $0x0;
	s18 =	sshrl.u32 s18, $0x2  }
0xcc: {  	s20 =	sadd.s32 $0x3, s14;
	(ifvalue) =	ssetifvalue $0x0;
	s18 =	sadd.s32 $0xC1C0, s18  }
0xcd: {  	[tilespmem:s18], [sflag:s20] =	stream.indirect.gather [hbm4b:s4+s26], $0x20, s17, s26, $0x40b8;
	[tilespmem:$0x139C0] =	vst v63  }
0xce: {  	_ = 	snop  }
.LBB2_18:
0xcf: {  	s15 =	simm.s32 $0x58  }
0xd0: {  	s15 =	sand.u32 $0xFF, s15  }
0xd1: {  	s15 =	smul.u32 $0xAB, s15;
	_ =	sdelay $0x1  }
0xd2: {  	s15 =	sshrl.u32 s15, $0xB  }
0xd3: {  	s16 =	smul.u32 $0xC, s15  }
0xd4: {  	s15 =	simm.s32 $0x59  }
0xd5: {  	s17 =	sand.u32 $0xFF, s15;
	s16 =	ssub.s32 $0x58, s16  }
0xd6: {  	s18 =	smul.u32 $0xAB, s17;
	s16 =	sand.u32 $0xFF, s16  }
0xd7: {  	s17 =	sadd.s32 $0xF, s16  }
0xd8: {  	s16 =	simm.s32 $0x2;
	s18 =	sshrl.u32 s18, $0xB;
	_ =	swait.ge [sflag:s17], $0xA00  }
.LBB2_19:
0xd9: {  	s19 =	sadd.s32 $0x58, s16  }
0xda: {  	s18 =	smul.u32 $0xC, s18;
	[sflag:s17] =	ssyncset.done $0x0;
	p0 =	sne.s32 s16, $0xB  }
.Ltmp11:
0xdb: {  	s20 =	sand.u32 $0xFF, s19;
	[sflag:s17] =	ssyncadd.s32 $0xFFFFF600;
	(pc) =	sbr.rel @p0 .LBB2_19-.Ltmp11, $4  }
0xdc: {  	s16 =	sadd.s32 $0x1, s16;
	s15 =	ssub.s32 s15, s18  }
0xdd: {  	s18 =	smul.u32 $0xAB, s20;
	s17 =	sand.u32 $0xFF, s15;
	s15 =	smov.u32 s19  }
0xde: {  	s17 =	sadd.s32 $0xF, s17  }
0xdf: {  	s18 =	sshrl.u32 s18, $0xB;
	_ =	swait.ge [sflag:s17], $0xA00  }
0xe0: {  	s16 =	smul.u32 $0xC, s18;
	_ =	sdelay $0x1  }
0xe1: {  	s15 =	ssub.s32 s15, s16  }
.Ltmp12:
0xe2: {  	[sflag:s17] =	ssyncset.done $0x0;
	s15 =	sand.u32 $0xFF, s15;
	(pc) =	sbr.rel .LBB2_21-.Ltmp12, $4  }
0xe3: {  	[sflag:s17] =	ssyncadd.s32 $0xFFFFF600;
	s15 =	sadd.s32 $0xF, s15  }
0xe4: {  	_ =	swait.ge [sflag:s15], $0xA00  }
0xe5: {  	[sflag:s15] =	ssyncset.done $0x0  }
0xe6: {  	s16 =	simm.s32 $0xC1C0;
	[sflag:s15] =	ssyncadd.s32 $0xFFFFF600  }
.LBB2_27:
0xe7: {  	s15 =	sadd.s32 $0xFFFFFFFA, s14  }
0xe8: {  	s17 =	smulhi.u32 $0xCCCCCCCD, s15;
	_ =	sdelay $0x1  }
0xe9: {  	s17 =	sshrl.u32 s17, $0x4  }
0xea: {  	s18 =	smul.u32 $0x14, s17;
	_ =	sdelay $0x1  }
0xeb: {  	s19 =	smulhi.u32 $0xAAAAAAAB, s15;
	s18 =	ssub.s32 s15, s18  }
0xec: {  	s18 =	smul.u32 $0x50, s18  }
0xed: {  	s19 =	sshrl.u32 s19, $0x3  }
0xee: {  	s19 =	smul.u32 $0xC, s19;
	s18 =	sadd.s32 s7, s18  }
0xef: {  	s18 =	smul.u32 $0x420, s18  }
0xf0: {  	s17 =	sshll.u32 s17, $0x5;
	s15 =	ssub.s32 s15, s19  }
0xf1: {  	s19 =	sadd.s32 $0x3, s15;
	s20 =	smul.u32 $0x2800, s15;
	s17 =	sadd.s32 s18, s17  }
0xf2: {  	s15 =	sadd.s32 $0xF, s15;
	_ =	swait.ge [sflag:s19], $0xA00;
	s17 =	sshrl.u32 s17, $0x3  }
0xf3: {  	[sflag:s19] =	ssyncset.done $0x0;
	s18 =	sshrl.u32 s20, $0x2;
	s17 =	sadd.s32 s2, s17  }
0xf4: {  	[sflag:s19] =	ssyncadd.s32 $0xFFFFF600;
	s18 =	sadd.s32 $0xC1C0, s18;
	s17 =	sadd.s32 $0x50, s17  }
0xf5: {  	[hbm4b:s17+s28] =	stream.strided.scatter [tilespmem:s18], [sflag:s15], $0xA00, s24, s28, $0x38;
	[tilespmem:$0x139C0] =	vst v63  }
.LBB2_28:
0xf6: {  	s14 =	sadd.s32 $0x1, s14  }
0xf7: {  	p0 =	sne.s32 s14, $0x6A  }
.Ltmp13:
0xf8: {  	_ = 	snop;
	(pc) =	sbr.rel @!p0 .LBB2_29-.Ltmp13, $2  }
0xf9: {  	_ =	sdelay $0x2  }
0xfa: {  	s16 =	sadd.s32 $0xA00, s16;
	s15 =	simm.s32 $0x0  }
.LBB2_21:
0xfb: {  	p0 =	sgt.u32 s14, $0x63  }
.Ltmp14:
0xfc: {  	_ = 	snop;
	(pc) =	sbr.rel @p0 .LBB2_27-.Ltmp14, $1  }
0xfd: {  	_ =	sdelay $0x3  }
0xfe: {  	s15 =	smul.u32 $0xAB, s14;
	_ =	sdelay $0x1  }
0xff: {  	s15 =	sshrl.u32 s15, $0xB  }
0x100: {  	s15 =	sand.u32 $0x1F, s15  }
0x101: {  	s15 =	smul.u32 $0xC, s15;
	_ =	sdelay $0x1  }
0x102: {  	s15 =	ssub.s32 s14, s15  }
0x103: {  	p0 =	slt.u32 s14, $0xC;
	s15 =	sand.u32 $0xFF, s15  }
0x104: {  	s17 =	sadd.s32 @!p0 $0xF, s15  }
0x105: {  	s18 =	smul.u32 $0x140, s14;
	_ =	swait.ge @!p0 [sflag:s17], $0xA00  }
0x106: {  	[sflag:s17] =	ssyncset.done @!p0 $0x0  }
0x107: {  	[sflag:s17] =	ssyncadd.s32 @!p0 $0xFFFFF600;
	s17 =	sshra.s32 s18, $0x2  }
0x108: {  	v1 =	vld [tilespmem:s17+$0x1F40]  }
0x109: {  	v2 =	vld [tilespmem:s17+$0x1F50];
	_ =	sdelay $0x1  }
0x10a: {  	v3 =	vld [tilespmem:s17+$0x1F60]  }
0x10b: {  	v4 =	vld [tilespmem:s17+$0x1F70]  }
0x10c: {  	v1 =	vxor.u32 $0x80000000, v1  }
0x10d: {  	(xrf0) =	vmin.scan.msk.u32 $0xffff, v1;
	v1 =	vxor.u32 $0x80000000, v2  }
0x10e: {  	(xrf0) =	vmin.scan.msk.u32 $0xffff, v1;
	v1 =	vld [tilespmem:s17+$0x1F80]  }
0x10f: {  	v2 =	vxor.u32 $0x80000000, v3  }
0x110: {  	(xrf0) =	vmin.scan.msk.u32 $0xffff, v2;
	v2 =	vxor.u32 $0x80000000, v4;
	_ =	sdelay $0x1  }
0x111: {  	(xrf0) =	vmin.scan.msk.u32 $0xffff, v2  }
0x112: {  	v2, _, _ =	vpop (xrf0);
	v1 =	vxor.u32 $0x80000000, v1  }
0x113: {  	(v2sf) =	vpush v2, $0xF;
	v2, _, _ =	vpop (xrf0);
	(xrf0) =	vmin.scan.msk.u32 $0xffff, v1  }
0x114: {  	(v2sf) =	vpush v2, $0xF  }
0x115: {  	v1, _, _ =	vpop (xrf0)  }
0x116: {  	(v2sf) =	vpush v1, $0xF  }
0x117: {  	v1, _, _ =	vpop (xrf0)  }
0x118: {  	(v2sf) =	vpush v1, $0xF  }
0x119: {  	v1, _, _ =	vpop (xrf0)  }
0x11a: {  	(v2sf) =	vpush v1, $0xF;
	_ =	sdelay $0x7  }
0x11b: {  	s20 =	spop (v2sf)  }
0x11c: {  	s19 =	spop (v2sf)  }
0x11d: {  	s18 =	sxor.u32 $0x80000000, s20;
	s19 =	sxor.u32 $0x80000000, s19  }
0x11e: {  	s20 =	spop (v2sf);
	p0 =	slt.s32 s18, s19  }
0x11f: {  	s19 =	smov.u32 @p0 s18;
	s18 =	sxor.u32 $0x80000000, s20  }
0x120: {  	s20 =	spop (v2sf);
	p0 =	slt.s32 s19, s18  }
0x121: {  	s18 =	smov.u32 @p0 s19;
	s19 =	sxor.u32 $0x80000000, s20  }
0x122: {  	p0 =	slt.s32 s18, s19;
	s20 =	spop (v2sf)  }
0x123: {  	s19 =	smov.u32 @p0 s18;
	s18 =	sxor.u32 $0x80000000, s20  }
0x124: {  	p0 =	slt.s32 s19, s18  }
0x125: {  	s18 =	smov.u32 @p0 s19  }
0x126: {  	p0 =	sne.s32 s18, $0x0  }
.Ltmp15:
0x127: {  	_ = 	snop;
	(pc) =	sbr.rel @p0 .LBB2_26-.Ltmp15, $1  }
0x128: {  	_ =	sdelay $0x3  }
0x129: {  	s18 =	smulhi.u32 $0xAAAAAAAB, s14;
	_ =	sdelay $0x1  }
0x12a: {  	s18 =	sshrl.u32 s18, $0x3  }
0x12b: {  	s18 =	smul.u32 $0xFFFE2000, s18;
	_ =	sdelay $0x1  }
0x12c: {  	s18 =	sshra.s32 s18, $0x2  }
0x12d: {  	s18 =	sadd.s32 s18, s16  }
0x12e: {  	v1 =	vmov s18;
	_ =	sdelay $0x3  }
0x12f: {  	s19 =	simm.s32 $0x0  }
0x130: {  	s18 =	simm.s32 $0x80;
	[tilespmem:v1+s19+$0x0 ss:$0x1] =	vst.idx.msk $0xffff, v0  }
.LBB2_24:
0x131: {  	p0 =	sne.s32 s18, $0x2780;
	[tilespmem:v1+s19+$0x10 ss:$0x1] =	vst.idx.msk $0xffff, v0;
	s19 =	smov.u32 s18;
	s18 =	sadd.s32 $0x80, s18  }
.Ltmp16:
0x132: {  	(pc) =	sbr.rel @p0 .LBB2_24-.Ltmp16, $3  }
0x133: {  	_ =	sdelay $0x1  }
0x134: {  	s19 =	sshra.s32 s19, $0x2  }
0x135: {  	[tilespmem:v1+s19+$0x0 ss:$0x1] =	vst.idx.msk $0xffff, v0  }
0x136: {  	_ =	sdelay $0x3  }
0x137: {  	[tilespmem:v1+s19+$0x10 ss:$0x1] =	vst.idx.msk $0xffff, v0  }
.LBB2_26:
0x138: {  	s18 =	smul.u32 $0x2800, s15;
	p0 =	slt.u32 s14, $0x6  }
.Ltmp17:
0x139: {  	_ = 	snop;
	(pc) =	sbr.rel @p0 .LBB2_28-.Ltmp17, $4  }
.Ltmp18:
0x13a: {  	_ = 	snop;
	(pc) =	sbr.rel @!p0 .LBB2_27-.Ltmp18, $4  }
0x13b: {  	s17 =	sadd.s32 $0x1F40, s17;
	(ifvalue) =	ssetifvalue $0x0;
	s18 =	sshrl.u32 s18, $0x2  }
0x13c: {  	s20 =	sadd.s32 $0x3, s15;
	(ifvalue) =	ssetifvalue $0x0;
	s18 =	sadd.s32 $0xC1C0, s18  }
0x13d: {  	[tilespmem:s18], [sflag:s20] =	stream.indirect.gather [hbm4b:s5+s26], $0x20, s17, s26, $0x40b8;
	[tilespmem:$0x139C0] =	vst v63  }
0x13e: {  	_ = 	snop  }
.LBB2_29:
0x13f: {  	s14 =	simm.s32 $0x58  }
0x140: {  	s14 =	sand.u32 $0xFF, s14  }
0x141: {  	s14 =	smul.u32 $0xAB, s14;
	_ =	sdelay $0x1  }
0x142: {  	s14 =	sshrl.u32 s14, $0xB  }
0x143: {  	s16 =	smul.u32 $0xC, s14  }
0x144: {  	s14 =	simm.s32 $0x59  }
0x145: {  	s17 =	sand.u32 $0xFF, s14;
	s16 =	ssub.s32 $0x58, s16  }
0x146: {  	s18 =	smul.u32 $0xAB, s17;
	s16 =	sand.u32 $0xFF, s16  }
0x147: {  	s17 =	sadd.s32 $0xF, s16  }
0x148: {  	s16 =	simm.s32 $0x2;
	s18 =	sshrl.u32 s18, $0xB;
	_ =	swait.ge [sflag:s17], $0xA00  }
.LBB2_30:
0x149: {  	s19 =	sadd.s32 $0x58, s16  }
0x14a: {  	s18 =	smul.u32 $0xC, s18;
	[sflag:s17] =	ssyncset.done $0x0;
	p0 =	sne.s32 s16, $0xB  }
.Ltmp19:
0x14b: {  	s20 =	sand.u32 $0xFF, s19;
	[sflag:s17] =	ssyncadd.s32 $0xFFFFF600;
	(pc) =	sbr.rel @p0 .LBB2_30-.Ltmp19, $4  }
0x14c: {  	s16 =	sadd.s32 $0x1, s16;
	s14 =	ssub.s32 s14, s18  }
0x14d: {  	s18 =	smul.u32 $0xAB, s20;
	s17 =	sand.u32 $0xFF, s14;
	s14 =	smov.u32 s19  }
0x14e: {  	s17 =	sadd.s32 $0xF, s17  }
0x14f: {  	s18 =	sshrl.u32 s18, $0xB;
	_ =	swait.ge [sflag:s17], $0xA00  }
0x150: {  	s16 =	smul.u32 $0xC, s18;
	_ =	sdelay $0x1  }
0x151: {  	s14 =	ssub.s32 s14, s16  }
.Ltmp20:
0x152: {  	[sflag:s17] =	ssyncset.done $0x0;
	s14 =	sand.u32 $0xFF, s14;
	(pc) =	sbr.rel .LBB2_32-.Ltmp20, $4  }
0x153: {  	[sflag:s17] =	ssyncadd.s32 $0xFFFFF600;
	s14 =	sadd.s32 $0xF, s14  }
0x154: {  	_ =	swait.ge [sflag:s14], $0xA00  }
0x155: {  	[sflag:s14] =	ssyncset.done $0x0  }
0x156: {  	[sflag:s14] =	ssyncadd.s32 $0xFFFFF600;
	s14 =	simm.s32 $0xC1C0  }
.LBB2_38:
0x157: {  	s16 =	sadd.s32 $0xFFFFFFFA, s15  }
0x158: {  	s17 =	smulhi.u32 $0xCCCCCCCD, s16;
	_ =	sdelay $0x1  }
0x159: {  	s17 =	sshrl.u32 s17, $0x4  }
0x15a: {  	s17 =	smul.u32 $0x14, s17  }
0x15b: {  	s18 =	smulhi.u32 $0xAAAAAAAB, s16  }
0x15c: {  	s17 =	ssub.s32 s16, s17  }
0x15d: {  	s18 =	sshrl.u32 s18, $0x3;
	s17 =	smul.u32 $0x50, s17  }
0x15e: {  	s18 =	smul.u32 $0xC, s18  }
0x15f: {  	s17 =	sadd.s32 s7, s17  }
0x160: {  	s16 =	ssub.s32 s16, s18;
	s17 =	smul.u32 $0x420, s17  }
0x161: {  	s18 =	sadd.s32 $0x3, s16;
	s19 =	smul.u32 $0x2800, s16  }
0x162: {  	s16 =	sadd.s32 $0xF, s16;
	_ =	swait.ge [sflag:s18], $0xA00;
	s17 =	sshrl.u32 s17, $0x3  }
0x163: {  	[sflag:s18] =	ssyncset.done $0x0;
	s20 =	sshrl.u32 s19, $0x2;
	s17 =	sadd.s32 s2, s17  }
0x164: {  	[sflag:s18] =	ssyncadd.s32 $0xFFFFF600;
	s18 =	sadd.s32 $0xC1C0, s20;
	s17 =	sadd.s32 $0x7C, s17  }
0x165: {  	[hbm4b:s17+s28] =	stream.strided.scatter [tilespmem:s18], [sflag:s16], $0xA00, s24, s28, $0x38;
	[tilespmem:$0x139C0] =	vst v63  }
.LBB2_39:
0x166: {  	s15 =	sadd.s32 $0x1, s15  }
0x167: {  	p0 =	sne.s32 s15, $0x1A  }
.Ltmp21:
0x168: {  	_ = 	snop;
	(pc) =	sbr.rel @!p0 .LBB2_40-.Ltmp21, $2  }
0x169: {  	_ =	sdelay $0x2  }
0x16a: {  	s14 =	sadd.s32 $0xA00, s14  }
.LBB2_32:
0x16b: {  	p0 =	sgt.u32 s15, $0x13  }
.Ltmp22:
0x16c: {  	_ = 	snop;
	(pc) =	sbr.rel @p0 .LBB2_38-.Ltmp22, $1  }
0x16d: {  	_ =	sdelay $0x3  }
0x16e: {  	s16 =	smul.u32 $0xAB, s15;
	_ =	sdelay $0x1  }
0x16f: {  	s16 =	sshrl.u32 s16, $0xB  }
0x170: {  	s16 =	sand.u32 $0x1F, s16  }
0x171: {  	s16 =	smul.u32 $0xC, s16;
	_ =	sdelay $0x1  }
0x172: {  	s16 =	ssub.s32 s15, s16  }
0x173: {  	p0 =	slt.u32 s15, $0xC;
	s16 =	sand.u32 $0xFF, s16  }
0x174: {  	s17 =	sadd.s32 @!p0 $0xF, s16  }
0x175: {  	s18 =	smul.u32 $0x140, s15;
	_ =	swait.ge @!p0 [sflag:s17], $0xA00  }
0x176: {  	[sflag:s17] =	ssyncset.done @!p0 $0x0  }
0x177: {  	[sflag:s17] =	ssyncadd.s32 @!p0 $0xFFFFF600;
	s17 =	sshra.s32 s18, $0x2  }
0x178: {  	v1 =	vld [tilespmem:s17+$0x3E80]  }
0x179: {  	v2 =	vld [tilespmem:s17+$0x3E90];
	_ =	sdelay $0x1  }
0x17a: {  	v3 =	vld [tilespmem:s17+$0x3EA0]  }
0x17b: {  	v4 =	vld [tilespmem:s17+$0x3EB0]  }
0x17c: {  	v1 =	vxor.u32 $0x80000000, v1  }
0x17d: {  	(xrf0) =	vmin.scan.msk.u32 $0xffff, v1;
	v1 =	vxor.u32 $0x80000000, v2  }
0x17e: {  	(xrf0) =	vmin.scan.msk.u32 $0xffff, v1;
	v1 =	vld [tilespmem:s17+$0x3EC0]  }
0x17f: {  	v2 =	vxor.u32 $0x80000000, v3  }
0x180: {  	(xrf0) =	vmin.scan.msk.u32 $0xffff, v2;
	v2 =	vxor.u32 $0x80000000, v4;
	_ =	sdelay $0x1  }
0x181: {  	(xrf0) =	vmin.scan.msk.u32 $0xffff, v2  }
0x182: {  	v2, _, _ =	vpop (xrf0);
	v1 =	vxor.u32 $0x80000000, v1  }
0x183: {  	(v2sf) =	vpush v2, $0xF;
	v2, _, _ =	vpop (xrf0);
	(xrf0) =	vmin.scan.msk.u32 $0xffff, v1  }
0x184: {  	(v2sf) =	vpush v2, $0xF  }
0x185: {  	v1, _, _ =	vpop (xrf0)  }
0x186: {  	(v2sf) =	vpush v1, $0xF  }
0x187: {  	v1, _, _ =	vpop (xrf0)  }
0x188: {  	(v2sf) =	vpush v1, $0xF  }
0x189: {  	v1, _, _ =	vpop (xrf0)  }
0x18a: {  	(v2sf) =	vpush v1, $0xF;
	_ =	sdelay $0x7  }
0x18b: {  	s20 =	spop (v2sf)  }
0x18c: {  	s19 =	spop (v2sf)  }
0x18d: {  	s18 =	sxor.u32 $0x80000000, s20;
	s19 =	sxor.u32 $0x80000000, s19  }
0x18e: {  	s20 =	spop (v2sf);
	p0 =	slt.s32 s18, s19  }
0x18f: {  	s19 =	smov.u32 @p0 s18;
	s18 =	sxor.u32 $0x80000000, s20  }
0x190: {  	s20 =	spop (v2sf);
	p0 =	slt.s32 s19, s18  }
0x191: {  	s18 =	smov.u32 @p0 s19;
	s19 =	sxor.u32 $0x80000000, s20  }
0x192: {  	p0 =	slt.s32 s18, s19;
	s20 =	spop (v2sf)  }
0x193: {  	s19 =	smov.u32 @p0 s18;
	s18 =	sxor.u32 $0x80000000, s20  }
0x194: {  	p0 =	slt.s32 s19, s18  }
0x195: {  	s18 =	smov.u32 @p0 s19  }
0x196: {  	p0 =	sne.s32 s18, $0x0  }
.Ltmp23:
0x197: {  	_ = 	snop;
	(pc) =	sbr.rel @p0 .LBB2_37-.Ltmp23, $1  }
0x198: {  	_ =	sdelay $0x3  }
0x199: {  	s18 =	smulhi.u32 $0xAAAAAAAB, s15;
	_ =	sdelay $0x1  }
0x19a: {  	s18 =	sshrl.u32 s18, $0x3  }
0x19b: {  	s18 =	smul.u32 $0xFFFE2000, s18;
	_ =	sdelay $0x1  }
0x19c: {  	s18 =	sshra.s32 s18, $0x2  }
0x19d: {  	s18 =	sadd.s32 s18, s14  }
0x19e: {  	v1 =	vmov s18;
	_ =	sdelay $0x3  }
0x19f: {  	s19 =	simm.s32 $0x0  }
0x1a0: {  	s18 =	simm.s32 $0x80;
	[tilespmem:v1+s19+$0x0 ss:$0x1] =	vst.idx.msk $0xffff, v0  }
.LBB2_35:
0x1a1: {  	p0 =	sne.s32 s18, $0x2780;
	[tilespmem:v1+s19+$0x10 ss:$0x1] =	vst.idx.msk $0xffff, v0;
	s19 =	smov.u32 s18;
	s18 =	sadd.s32 $0x80, s18  }
.Ltmp24:
0x1a2: {  	(pc) =	sbr.rel @p0 .LBB2_35-.Ltmp24, $3  }
0x1a3: {  	_ =	sdelay $0x1  }
0x1a4: {  	s19 =	sshra.s32 s19, $0x2  }
0x1a5: {  	[tilespmem:v1+s19+$0x0 ss:$0x1] =	vst.idx.msk $0xffff, v0  }
0x1a6: {  	_ =	sdelay $0x3  }
0x1a7: {  	[tilespmem:v1+s19+$0x10 ss:$0x1] =	vst.idx.msk $0xffff, v0  }
.LBB2_37:
0x1a8: {  	s18 =	smul.u32 $0x2800, s16;
	p0 =	slt.u32 s15, $0x6  }
.Ltmp25:
0x1a9: {  	_ = 	snop;
	(pc) =	sbr.rel @p0 .LBB2_39-.Ltmp25, $4  }
.Ltmp26:
0x1aa: {  	_ = 	snop;
	(pc) =	sbr.rel @!p0 .LBB2_38-.Ltmp26, $4  }
0x1ab: {  	s17 =	sadd.s32 $0x3E80, s17;
	(ifvalue) =	ssetifvalue $0x0;
	s18 =	sshrl.u32 s18, $0x2  }
0x1ac: {  	s20 =	sadd.s32 $0x3, s16;
	(ifvalue) =	ssetifvalue $0x0;
	s18 =	sadd.s32 $0xC1C0, s18  }
0x1ad: {  	[tilespmem:s18], [sflag:s20] =	stream.indirect.gather [hbm4b:s6+s26], $0x20, s17, s26, $0x40b8;
	[tilespmem:$0x139C0] =	vst v63  }
0x1ae: {  	_ = 	snop  }
.LBB2_40:
0x1af: {  	_ =	swait.ge [sflag:s29], $0xA00  }
0x1b0: {  	[sflag:s29] =	ssyncset.done $0x0  }
0x1b1: {  	[sflag:s29] =	ssyncadd.s32 $0xFFFFF600  }
0x1b2: {  	_ =	swait.ge [sflag:s30], $0xA00  }
0x1b3: {  	[sflag:s30] =	ssyncset.done $0x0  }
0x1b4: {  	[sflag:s30] =	ssyncadd.s32 $0xFFFFF600  }
0x1b5: {  	_ =	swait.ge [sflag:s31], $0xA00  }
0x1b6: {  	[sflag:s31] =	ssyncset.done $0x0  }
0x1b7: {  	[sflag:s31] =	ssyncadd.s32 $0xFFFFF600  }
0x1b8: {  	_ =	swait.ge [sflag:s0], $0xA00  }
0x1b9: {  	[sflag:s0] =	ssyncset.done $0x0  }
0x1ba: {  	[sflag:s0] =	ssyncadd.s32 $0xFFFFF600  }
0x1bb: {  	_ =	swait.ge [sflag:s1], $0xA00  }
0x1bc: {  	[sflag:s1] =	ssyncset.done $0x0  }
0x1bd: {  	s14 =	simm.s32 $0x10;
	[sflag:s1] =	ssyncadd.s32 $0xFFFFF600  }
0x1be: {  	_ =	swait.ge [sflag:s14], $0xA00  }
0x1bf: {  	[sflag:s14] =	ssyncset.done $0x0  }
0x1c0: {  	[sflag:s14] =	ssyncadd.s32 $0xFFFFF600  }
0x1c1: {  	_ =	swait.ge [sflag:s21], $0xA00  }
0x1c2: {  	[sflag:s21] =	ssyncset.done $0x0  }
0x1c3: {  	[sflag:s21] =	ssyncadd.s32 $0xFFFFF600  }
0x1c4: {  	_ =	swait.ge [sflag:s25], $0xA00  }
0x1c5: {  	[sflag:s25] =	ssyncset.done $0x0  }
0x1c6: {  	[sflag:s25] =	ssyncadd.s32 $0xFFFFF600  }
0x1c7: {  	_ =	swait.ge [sflag:s8], $0xA00  }
0x1c8: {  	[sflag:s8] =	ssyncset.done $0x0  }
0x1c9: {  	[sflag:s8] =	ssyncadd.s32 $0xFFFFF600  }
0x1ca: {  	_ =	swait.ge [sflag:s9], $0xA00  }
0x1cb: {  	[sflag:s9] =	ssyncset.done $0x0  }
0x1cc: {  	[sflag:s9] =	ssyncadd.s32 $0xFFFFF600  }
0x1cd: {  	_ =	swait.ge [sflag:s10], $0xA00  }
0x1ce: {  	[sflag:s10] =	ssyncset.done $0x0  }
0x1cf: {  	[sflag:s10] =	ssyncadd.s32 $0xFFFFF600  }
0x1d0: {  	_ =	swait.ge [sflag:s11], $0xA00  }
0x1d1: {  	[sflag:s11] =	ssyncset.done $0x0  }
0x1d2: {  	[sflag:s11] =	ssyncadd.s32 $0xFFFFF600  }
0x1d3: {  	_ =	swait.ge [sflag:s12], $0x3E80  }
0x1d4: {  	[sflag:s12] =	ssyncset.done $0x0  }
0x1d5: {  	[sflag:s12] =	ssyncadd.s32 $0xFFFFC180  }
0x1d6: {  	_ =	swait.ge [sflag:s12], $0x7D00  }
0x1d7: {  	[sflag:s12] =	ssyncset.done $0x0  }
0x1d8: {  	[sflag:s12] =	ssyncadd.s32 $0xFFFF8300  }
0x1d9: {  	_ =	swait.ge [sflag:s12], $0x4B00  }
0x1da: {  	[sflag:s12] =	ssyncset.done $0x0  }
0x1db: {  	[sflag:s12] =	ssyncadd.s32 $0xFFFFB500  }
0x1dc: {  	_ =	swait.ge [sflag:s12], $0xC80  }
0x1dd: {  	s14 =	simm.s32 $0xF;
	[sflag:s12] =	ssyncset.done $0x0  }
.LBB2_41:
0x1de: {  	p0 =	sne.s32 s14, $0x1;
	s14 =	sadd.s32 $0xFFFFFFFF, s14;
	[sflag:s12] =	ssyncadd.s32 $0xFFFFF380  }
0x1df: {  	_ =	swait.ge [sflag:s12], $0x3E80  }
0x1e0: {  	[sflag:s12] =	ssyncset.done $0x0  }
0x1e1: {  	[sflag:s12] =	ssyncadd.s32 $0xFFFFC180  }
0x1e2: {  	_ =	swait.ge [sflag:s12], $0x7D00  }
0x1e3: {  	[sflag:s12] =	ssyncset.done $0x0  }
0x1e4: {  	[sflag:s12] =	ssyncadd.s32 $0xFFFF8300  }
.Ltmp27:
0x1e5: {  	_ =	swait.ge [sflag:s12], $0x4B00;
	(pc) =	sbr.rel @p0 .LBB2_41-.Ltmp27, $4  }
0x1e6: {  	[sflag:s12] =	ssyncset.done $0x0  }
0x1e7: {  	[sflag:s12] =	ssyncadd.s32 $0xFFFFB500  }
0x1e8: {  	_ =	swait.ge [sflag:s12], $0xC80  }
0x1e9: {  	[sflag:s12] =	ssyncset.done $0x0  }
0x1ea: {  	s13 =	sadd.s32 $0x1, s13;
	s14 =	rddreg [dreg:$0xf]  }
0x1eb: {  	p0 =	sne.s32 s13, s14  }
.Ltmp28:
0x1ec: {  	_ = 	snop;
	(pc) =	sbr.rel @p0 .LBB2_1-.Ltmp28, $2  }
0x1ed: {  	_ =	sdelay $0x2  }
0x1ee: {  	[sflag:s12] =	ssyncadd.s32 $0xFFFFF380  }
0x1ef: {  	_ =	sfence.sel $0x180000  }
0x1f0: {  	[bflag:$0x0] =	sbarrier.arrive $0xFFFF  }
0x1f1: {  	_ =	strace $0x90000047  }
0x1f2: {  	s0 =	stileid.u32;
	[bflag:$0x2] =	sbarrier.arrive $0xFFFF  }
0x1f3: {  	p0 =	sne.s32 s0, $0x0;
	s0 =	rddreg [dreg:$0x2]  }
0x1f4: {  	s0 =	sadd.s32 @!p0 $0x100000, s0  }
0x1f5: {  	[sflag:s0] =	ssyncadd.tile.s32 @!p0 $0x1;
	_ =	shalt  }
.Lfunc_end2:
_tile_overlayer_lowered:
.L_overlay_start_2:
0x1f6: {  	(tag) =	ssettag $0x2  }
0x1f7: {  	s0 =	rddreg [dreg:$0x0];
	s2 =	stileid.u32  }
0x1f8: {  	s1 =	rddreg [dreg:$0x1];
	p0 =	sne.s32 s2, $0x0  }
0x1f9: {  	s3 =	rddreg [dreg:$0x2];
	[bflag:$0x3] =	sbarrier.arrive $0xFFFF;
	s2 =	simm.s32 @!p0 $0x1C1B  }
0x1fa: {  	[timem:s3], [sflag:s2] =	dma.local @!p0 [hbm:s0], s1  }
0x1fb: {  	s0 =	simm.s32 @!p0 $0x1B  }
0x1fc: {  	_ =	swait.ge @!p0 [sflag:s0], s1  }
0x1fd: {  	s1 =	ssub.s32 @!p0 $0x0, s1;
	[sflag:s0] =	ssyncset.done @!p0 $0x0  }
0x1fe: {  	[sflag:s0] =	ssyncadd.s32 @!p0 s1  }
0x1ff: {  	[bflag:$0x3] =	sbarrier.arrive $0xFFFF  }
0x200: {  	_ =	shalt  }

// kernel: sparse-core-data-format-call.cloned.1.call-start
scs
called_computation_lowered:
.L_overlay_start_0:
0x0: {  	s2 =	sld [smem:$0x3FD9]  }
0x1: {  	s3 =	sld [smem:$0x3FFE];
	_ =	sdelay $0x1  }
0x2: {  	s1 =	srdreg.scid  }
0x3: {  	s0 =	sand.u32 $0x1, s1  }
0x4: {  	s18 =	sshll.u32 s0, $0xA;
	s2 =	sadd.s32 s3, s2  }
0x5: {  	s2 =	sadd.s32 s2, s18  }
0x6: {  	[smem:$0x3FC1] =	sst s2  }
0x7: {  	_ = 	snop  }
0x8: {  	s2 =	sld [smem:$0x3FD0];
	(tm) =	ssettm $0x1  }
0x9: {  	s19 =	sld [smem:$0x3FFB];
	_ =	sdelay $0x3  }
0xa: {  	_ =	strace s19  }
0xb: {  	s3 =	sld [smem:$0x3FFC];
	_ =	sdelay $0x3  }
0xc: {  	_ =	strace s3  }
0xd: {  	s3 =	sld [smem:$0x3FFD];
	_ =	sdelay $0x3  }
0xe: {  	_ =	strace s3  }
0xf: {  	_ =	strace $0x8FFFFFFF  }
0x10: {  	s20 =	sld [smem:$0x3FDB];
	_ =	sdelay $0x1  }
0x11: {  	s4 =	simm.s32 $_scs_section_size  }
0x12: {  	s5 =	simm.s32 $_size__tile_overlayer_lowered;
	s6 =	simm.s32 $_tile_overlayer_lowered  }
0x13: {  	s23 =	simm.s32 $0x1BFF;
	s22 =	sshll.u32 s6, $0x1;
	s3 =	sadd.s32 s4, s20  }
0x14: {  	s7 =	simm.s32 $0x0;
	s21 =	sshll.u32 s5, $0x1;
	s5 =	sadd.s32 s22, s3  }
0x15: {  	[timem:s7], [sflag:s23] =	dma.local [hbm:s5], s21  }
0x16: {  	_ =	swait.ge [sflag:s23], s21  }
0x17: {  	s4 =	ssub.s32 $0x0, s21;
	[sflag:s23] =	ssyncset.done $0x0  }
0x18: {  	[sflag:s23] =	ssyncadd.s32 s4;
	_ =	sdelay $0x1  }
0x19: {  	s24 =	simm.s32 $0x1B8B  }
0x1a: {  	_ =	swait.ge [sflag:s24], $0x1  }
0x1b: {  	[sflag:s24] =	ssyncset.done $0x0  }
0x1c: {  	s26 =	simm.s32 $0x1B8E;
	s25 =	sld [smem:$0x3FFE];
	[sflag:s24] =	ssyncadd.s32 $0xFFFFFFFF  }
0x1d: {  	s27 =	simm.s32 $execute0_lowered;
	[smem:$0x3FD2] =	sst s26  }
0x1e: {  	s5 =	sshll.u32 s27, $0x1;
	_ =	strace $0x80000049;
	[dreg:$0x1] =	wrdreg $0xFFFFFFFF  }
0x1f: {  	s28 =	simm.s32 $_size_execute0_lowered;
	s3 =	sadd.s32 s3, s5;
	[dreg:$0x0] =	wrdreg $0x0  }
0x20: {  	s5 =	sshll.u32 s28, $0x1;
	[dreg:$0x2] =	wrdreg s3  }
0x21: {  	[dreg:$0x3] =	wrdreg s5  }
0x22: {  	[dreg:$0x4] =	wrdreg $0xC0  }
0x23: {  	_ =	task [dreg:s7], $0x5FFFF  }
0x24: {  	[dreg:$0x1] =	wrdreg $0xFFFFFFFF  }
0x25: {  	[dreg:$0x0] =	wrdreg $0x60  }
0x26: {  	[dreg:$0x2] =	wrdreg s25  }
0x27: {  	[dreg:$0x3] =	wrdreg s2  }
0x28: {  	[dreg:$0x4] =	wrdreg $0x9  }
0x29: {  	_ =	task.clear_ibuf [dreg:s7], $0x5FFFF;
	_ =	strace $0x90000049  }
0x2a: {  	s29 =	simm.s32 $0x9;
	_ =	strace $0x8000004B  }
0x2b: {  	_ =	swait.ge [sflag:s29], $0x1  }
0x2c: {  	[sflag:s29] =	ssyncadd.s32 $0xFFFFFFFF  }
0x2d: {  	_ =	strace $0x9000004B  }
0x2e: {  	_ =	sfence  }
0x2f: {  	s30 =	sld [smem:$0x0];
	_ =	sdelay $0x2  }
0x30: {  	s31 =	sshll.u32 s1, $0xD;
	s1 =	sshrl.u32 s1, $0x2  }
0x31: {  	s3 =	sand.u32 $0x4000, s31;
	s1 =	sadd.s32 s1, s30  }
0x32: {  	s0 =	sor.u32 s3, s0;
	s1 =	sshll.u32 s1, $0x11  }
0x33: {  	s0 =	sor.u32 s1, s0  }
0x34: {  	s0 =	sadd.s32 $0x8F2B, s0  }
0x35: {  	[sflag:s0] =	ssyncadd.remote.s32 $0x1  }
0x36: {  	_ =	sfence.sel $0xFFFF  }
0x37: {  	[dreg:$0x0] =	wrdreg $0xFFFFFFFF;
	(pc) =	sbr.abs _section_cstart, $3  }
0x38: {  	[dreg:$0x1] =	wrdreg $0xFFFFFFFF  }
0x39: {  	_ =	task.clear_ibuf [dreg:s7], $0x2FFFF;
	_ =	strace $0x9FFFFFFF  }
0x3a: {  	(tm) =	ssettm $0x7FFFFFFF  }
0x3b: {  	_ =	shalt  }
tec
execute0_lowered:
.L_overlay_start_1:
0x0: {  	(tag) =	ssettag $0x1  }
0x1: {  	s0 =	srdreg.scid  }
0x2: {  	s1 =	sshll.u32 s0, $0x4  }
0x3: {  	s6 =	rddreg [dreg:$0x0];
	s0 =	stileid.u32;
	s1 =	sand.u32 $0x10, s1  }
0x4: {  	s3 =	rddreg [dreg:$0x1];
	s1 =	sor.u32 s0, s1  }
0x5: {  	s5 =	simm.s32 $0x1;
	s31 =	simm.s32 $0x2;
	s2 =	sshll.u32 s1, $0x7  }
0x6: {  	s15 =	simm.s32 $0x0;
	s8 =	simm.s32 $0x64000;
	s4 =	ssub.s32 $0xC800, s2  }
0x7: {  	s14 =	simm.s32 $0x0;
	s9 =	simm.s32 $0x0;
	s30 =	sand.u32 $0xF80, s4  }
0x8: {  	s10 =	simm.s32 $0x0;
	s11 =	simm.s32 $0x0;
	p0 =	sne.s32 s30, $0x0  }
.Ltmp0:
0x9: {  	s7 =	sshrl.u32 s4, $0xC;
	s5 =	simm.s32 @!p0 $0x0;
	(pc) =	sbr.rel .LBB1_1-.Ltmp0, $4  }
0xa: {  	s13 =	simm.s32 $0x0;
	s1 =	rddreg [dreg:$0x2];
	s5 =	sadd.s32 s5, s7  }
0xb: {  	_ =	strace $0x8000004A;
	s4 =	simm.s32 $0x1;
	s5 =	smul.u32 $0x9, s5  }
0xc: {  	s6 =	sadd.s32 $0x1800, s6;
	s12 =	smov.u32 s2;
	[sflag:s4] =	ssyncpa.u1 $0x0  }
0xd: {  	[sflag:s31] =	ssyncpa.u1 $0x0;
	p0 =	por $0x0, $0x0;
	s7 =	sadd.s32 $0x1, s5  }
.LBB1_4:
0xe: {  	s21 =	sshrl.u32 s9, $0x3;
	s22 =	sshll.u32 s10, $0x3;
	s23 =	sshll.u32 s9, $0x7  }
0xf: {  	s24 =	sand.u32 $0x7F, s10;
	s20 =	sshra.s32 s20, $0x2;
	p1 =	sgt.s32 s9, $0x3A0  }
0x10: {  	s27 =	sshra.s32 s9, $0x1F;
	s21 =	smul.u32 $0x64000, s21;
	s22 =	sand.u32 $0xFFFFFC00, s22  }
0x11: {  	s23 =	sand.u32 $0x380, s23;
	s19 =	sadd.s32 s20, s19;
	s20 =	smov.u32 s9  }
0x12: {  	s25 =	sor.u32 s24, s23;
	s20 =	simm.s32 @!p1 $0x3A0;
	s21 =	sadd.s32 s22, s21  }
0x13: {  	v5 =	vld [tilespmem:s17+$0xFFFFFFD0];
	[tilespmem:s18+$0x2040 ss:$0x81] =	vst.msk $0xffff, v4;
	s24 =	sand.u32 s27, s9;
	s22 =	sor.u32 s21, s25;
	s21 =	smulhi.u32 $0x51EB851F, s21  }
0x14: {  	v58 =	vld [tilespmem:s17+$0xFFFFFFE0];
	[tilespmem:s18+$0x2850 ss:$0x81] =	vst.msk $0xffff, v3;
	p1 =	sgt.s32 s10, $0xC780;
	s20 =	ssub.s32 s20, s24;
	s26 =	smulhi.u32 $0x51EB851F, s22  }
0x15: {  	v59 =	vld [tilespmem:s17+$0xFFFFFFF0];
	[tilespmem:s18+$0x3060 ss:$0x81] =	vst.msk $0xffff, v2;
	s25 =	smov.u32 s10;
	s31 =	sadd.s32 $0xFFFFFC60, s20;
	s28 =	sshrl.u32 s21, $0xE  }
0x16: {  	v60 =	vld [tilespmem:s17+$0x0];
	[tilespmem:s18+$0x0 ss:$0x81] =	vst.msk $0xffff, v0;
	s23 =	sshrl.u32 s26, $0xE;
	s26 =	sshra.s32 s10, $0x1F;
	s30 =	smulhi.u32 $0x3E0F84, s28  }
0x17: {  	v61 =	vld [tilespmem:s17+$0x10];
	[tilespmem:s19+$0x3870 ss:$0x81] =	vst.msk $0xffff, v1;
	s20 =	ssub.s32 $0x420, s20;
	s25 =	simm.s32 @!p1 $0xC780;
	s26 =	sand.u32 s26, s10  }
0x18: {  	v62 =	vld [tilespmem:s17+$0x20];
	p1 =	sgt.s32 s31, $0x7F;
	[tilespmem:s19+$0x810 ss:$0x81] =	vst.msk $0xffff, v5;
	s29 =	ssub.s32 s25, s26;
	s27 =	smul.u32 $0x420, s30  }
0x19: {  	v63 =	vld [tilespmem:s17+$0xFFFFFFC0];
	[tilespmem:s19+$0x1020 ss:$0x81] =	vst.msk $0xffff, v58;
	s20 =	simm.s32 @p1 $0x0;
	s23 =	smul.u32 $0xC800, s23;
	s26 =	sadd.s32 $0xFFFF3880, s29  }
0x1a: {  	[tilespmem:s19+$0x1830 ss:$0x81] =	vst.msk $0xffff, v59;
	s21 =	ssub.s32 $0xC800, s29;
	p2 =	sgt.s32 s26, $0x7F;
	s17 =	ssub.s32 s28, s27  }
0x1b: {  	[tilespmem:s19+$0x2040 ss:$0x81] =	vst.msk $0xffff, v60;
	s22 =	ssub.s32 s22, s23;
	s21 =	simm.s32 @p2 $0x0;
	s17 =	smul.u32 $0x1900, s17  }
0x1c: {  	[tilespmem:s19+$0x2850 ss:$0x81] =	vst.msk $0xffff, v61;
	s29 =	sshrl.u32 s22, $0x3;
	s30 =	sand.u32 $0x7, s22;
	s28 =	smul.u32 s21, s20  }
0x1d: {  	[tilespmem:s19+$0x3060 ss:$0x81] =	vst.msk $0xffff, v62;
	s20 =	sadd.s32 s3, s29;
	s21 =	sshll.u32 s30, $0x12  }
0x1e: {  	[tilespmem:s19+$0x0 ss:$0x81] =	vst.msk $0xffff, v63;
	s17 =	sadd.s32 s17, s20;
	s31 =	sor.u32 $0x400, s21;
	s18 =	sand.u32 $0x3FFFFFFF, s28  }
0x1f: {  	[hbm4b:s17+s31] =	stream.strided.scatter [tilespmem:s16], [sflag:$0x2], s18, s8, s31, $0x20;
	[tilespmem:$0x10100] =	vst v63  }
.LBB1_5:
0x20: {  	p1 =	slt.u32 s13, $0x2  }
0x21: {  	s17 =	smov.u32 s15;
	p2 =	sgt.s32 @!p1 s15, $0x3A0;
	s16 =	sshra.s32 @!p1 s15, $0x1F  }
0x22: {  	p3 =	sgt.s32 @!p1 s14, $0xC780;
	s18 =	sshra.s32 @!p1 s14, $0x1F;
	p2 =	por !p2, p1  }
0x23: {  	s15 =	sand.u32 @!p1 s16, s15;
	p3 =	por !p3, p1;
	s16 =	smov.u32 s14  }
0x24: {  	s14 =	sand.u32 @!p1 s18, s14;
	s17 =	simm.s32 @p2 $0x3A0;
	s16 =	simm.s32 @p3 $0xC780  }
0x25: {  	s15 =	ssub.s32 @!p1 s17, s15;
	s14 =	ssub.s32 @!p1 s16, s14  }
0x26: {  	s18 =	smov.u32 s12;
	s16 =	sadd.s32 @!p1 $0xFFFFFC60, s15;
	s17 =	sadd.s32 @!p1 $0xFFFF3880, s14  }
0x27: {  	s15 =	ssub.s32 @!p1 $0x420, s15;
	p2 =	sgt.s32 @!p1 s16, $0x7F;
	p3 =	sgt.s32 @!p1 s17, $0x7F  }
0x28: {  	s14 =	ssub.s32 @!p1 $0xC800, s14;
	p2 =	por !p2, p1;
	p3 =	por !p3, p1  }
0x29: {  	s16 =	sadd.s32 $0x80, s11;
	s15 =	simm.s32 @!p2 $0x0;
	s14 =	simm.s32 @!p3 $0x0  }
0x2a: {  	p2 =	sgt.s32 s16, $0x41F;
	s14 =	smul.u32 @!p1 s14, s15;
	s15 =	sadd.s32 $0x1000, s12  }
0x2b: {  	s18 =	smov.u32 @p2 s15  }
0x2c: {  	s16 =	simm.s32 @p2 $0x0;
	p2 =	sgt.s32 s18, $0xC7FF  }
0x2d: {  	s18 =	smov.u32 @p2 s2;
	p2 =	sne.s32 s13, s7  }
.Ltmp1:
0x2e: {  	p0 =	por !p0, !p0;
	s17 =	simm.s32 @!p1 $0x2;
	(pc) =	sbr.rel @!p2 .LBB1_6-.Ltmp1, $4  }
0x2f: {  	s15 =	smov.u32 s9;
	s9 =	smov.u32 s11;
	s14 =	sand.u32 @!p1 $0x3FFFFFFF, s14  }
0x30: {  	s11 =	smov.u32 s16;
	_ =	swait.ge @!p1 [sflag:s17], s14;
	s19 =	ssub.s32 @!p1 $0x0, s14  }
0x31: {  	s14 =	smov.u32 s10;
	s13 =	sadd.s32 $0x1, s13;
	[sflag:s17] =	ssyncset.done @!p1 $0x0  }
0x32: {  	s10 =	smov.u32 s12;
	s12 =	smov.u32 s18;
	[sflag:s17] =	ssyncadd.s32 @!p1 s19  }
.LBB1_1:
0x33: {  	p1 =	sge.u32 s13, s5  }
0x34: {  	s16 =	sshrl.u32 @!p1 s12, $0x3  }
0x35: {  	s17 =	sshll.u32 @!p1 s11, $0x3;
	s16 =	smul.u32 @!p1 $0x2400, s16  }
0x36: {  	s18 =	sshll.u32 @!p1 s12, $0x7;
	s17 =	sand.u32 @!p1 $0xFFFFFC00, s17  }
0x37: {  	s16 =	sadd.s32 @!p1 s16, s17;
	s17 =	sand.u32 @!p1 $0x380, s18  }
0x38: {  	s16 =	sor.u32 @!p1 s17, s16  }
0x39: {  	s17 =	sand.u32 @!p1 $0x7F, s11;
	s18 =	smulhi.u32 @!p1 $0x38E38E39, s16  }
0x3a: {  	s16 =	sor.u32 @!p1 s17, s16  }
0x3b: {  	s17 =	smulhi.u32 @!p1 $0x38E38E39, s16;
	s18 =	sshrl.u32 @!p1 s18, $0x8  }
0x3c: {  	s19 =	smulhi.u32 @!p1 $0x28F5C3, s18  }
0x3d: {  	s17 =	sshrl.u32 @!p1 s17, $0x8  }
0x3e: {  	s17 =	smul.u32 @!p1 $0x480, s17;
	s19 =	sshrl.u32 @!p1 s19, $0x5  }
0x3f: {  	s19 =	smul.u32 @!p1 $0xC800, s19  }
0x40: {  	s31 =	sadd.s32 $0xFFFFFFFF, s13;
	s20 =	sxor.u32 @!p1 $0xFFFFFFFF, s13  }
0x41: {  	s16 =	ssub.s32 @!p1 s16, s17;
	s17 =	sshll.u32 @!p1 s20, $0xE;
	s18 =	ssub.s32 @!p1 s18, s19  }
0x42: {  	s19 =	sshrl.u32 @!p1 s16, $0x3;
	s16 =	sand.u32 @!p1 $0x7, s16;
	s18 =	smul.u32 @!p1 $0x90, s18  }
0x43: {  	s17 =	sand.u32 @!p1 $0x4000, s17;
	s19 =	sadd.s32 @!p1 s6, s19;
	s16 =	sshll.u32 @!p1 s16, $0x12  }
0x44: {  	s16 =	sor.u32 @!p1 $0x400, s16;
	s18 =	sadd.s32 @!p1 s18, s19;
	s19 =	simm.s32 @!p1 $0x2400  }
0x45: {  	[tilespmem:s17], [sflag:$0x1] =	stream.strided.gather @!p1 [hbm4b:s18+s16], $0x4000, s19, s16, $0x38;
	[tilespmem:$0x10100] =	vst v63  }
0x46: {  	p1 =	sge.u32 s31, s5  }
.Ltmp2:
0x47: {  	_ = 	snop;
	(pc) =	sbr.rel @p1 .LBB1_5-.Ltmp2, $1  }
0x48: {  	_ =	sdelay $0x3  }
0x49: {  	s16 =	simm.s32 $0x1  }
0x4a: {  	_ =	swait.ge [sflag:s4], $0x4000;
	s16 =	simm.s32 @!p0 $0x0  }
0x4b: {  	[sflag:s4] =	ssyncset.done $0x0;
	s17 =	sshll.u32 s16, $0xE  }
0x4c: {  	[sflag:s4] =	ssyncadd.s32 $0xFFFFC000;
	s17 =	sor.u32 $0x40, s17  }
0x4d: {  	s16 =	smul.u32 $0x10200, s16;
	v0 =	vld [tilespmem:s17+$0x30]  }
0x4e: {  	v1 =	vld [tilespmem:s17+$0xFFFFFFD0]  }
0x4f: {  	s16 =	sshrl.u32 s16, $0x2;
	v5 =	vld [tilespmem:s17+$0xFFFFFFE0]  }
0x50: {  	v6 =	vld [tilespmem:s17+$0xFFFFFFF0];
	s19 =	sor.u32 $0x8000, s16  }
0x51: {  	s31 =	sand.u32 $0x1, s13;
	v4 =	vld [tilespmem:s17+$0x0];
	s18 =	sadd.s32 $0x0, s19  }
0x52: {  	v3 =	vld [tilespmem:s17+$0x10];
	s16 =	smul.u32 $0x10200, s31;
	[tilespmem:s18+$0x3870 ss:$0x81] =	vst.msk $0xffff, v0  }
0x53: {  	v2 =	vld [tilespmem:s17+$0x20];
	[tilespmem:s18+$0x810 ss:$0x81] =	vst.msk $0xffff, v1  }
0x54: {  	s16 =	sshrl.u32 s16, $0x2;
	v0 =	vld [tilespmem:s17+$0xFFFFFFC0];
	[tilespmem:s18+$0x1020 ss:$0x81] =	vst.msk $0xffff, v5;
	s17 =	sadd.s32 $0x80, s17  }
0x55: {  	s20 =	simm.s32 $0x4;
	s21 =	simm.s32 $0x8;
	s16 =	sor.u32 $0x8000, s16;
	[tilespmem:s18+$0x1830 ss:$0x81] =	vst.msk $0xffff, v6;
	v1 =	vld [tilespmem:s17+$0x30]  }
.LBB1_3:
0x56: {  	p1 =	sne.s32 s21, $0x1FC;
	v5 =	vld [tilespmem:s17+$0xFFFFFFD0];
	[tilespmem:s18+$0x2040 ss:$0x81] =	vst.msk $0xffff, v4  }
0x57: {  	v6 =	vld [tilespmem:s17+$0xFFFFFFE0];
	[tilespmem:s18+$0x2850 ss:$0x81] =	vst.msk $0xffff, v3  }
0x58: {  	s22 =	sshra.s32 s20, $0x2;
	s20 =	smov.u32 s21;
	v7 =	vld [tilespmem:s17+$0xFFFFFFF0];
	[tilespmem:s18+$0x3060 ss:$0x81] =	vst.msk $0xffff, v2  }
.Ltmp3:
0x59: {  	v4 =	vld [tilespmem:s17+$0x0];
	[tilespmem:s18+$0x0 ss:$0x81] =	vst.msk $0xffff, v0;
	s18 =	sadd.s32 s22, s19;
	(pc) =	sbr.rel @p1 .LBB1_3-.Ltmp3, $4  }
0x5a: {  	v3 =	vld [tilespmem:s17+$0x10];
	[tilespmem:s18+$0x3870 ss:$0x81] =	vst.msk $0xffff, v1  }
0x5b: {  	[tilespmem:s18+$0x810 ss:$0x81] =	vst.msk $0xffff, v5;
	v2 =	vld [tilespmem:s17+$0x20]  }
0x5c: {  	v0 =	vld [tilespmem:s17+$0xFFFFFFC0];
	[tilespmem:s18+$0x1020 ss:$0x81] =	vst.msk $0xffff, v6;
	s17 =	sadd.s32 $0x80, s17  }
0x5d: {  	s21 =	sadd.s32 $0x4, s21;
	v1 =	vld [tilespmem:s17+$0x30];
	[tilespmem:s18+$0x1830 ss:$0x81] =	vst.msk $0xffff, v7  }
.Ltmp4:
0x5e: {  	_ = 	snop;
	(pc) =	sbr.rel .LBB1_4-.Ltmp4, $1  }
0x5f: {  	_ =	sdelay $0x3  }
.LBB1_6:
0x60: {  	_ =	sfence.sel $0x180000  }
0x61: {  	s2 =	simm.s32 $0x1;
	[bflag:$0x0] =	sbarrier.arrive $0xFFFF  }
0x62: {  	s31 =	simm.s32 $0x2;
	[sflag:s2] =	ssyncpa.u1 $0x1  }
0x63: {  	[sflag:s31] =	ssyncpa.u1 $0x1  }
0x64: {  	p0 =	sne.s32 s0, $0x0;
	_ =	strace $0x9000004A  }
0x65: {  	s0 =	sadd.s32 @!p0 $0x100000, s1;
	[bflag:$0x2] =	sbarrier.arrive $0xFFFF  }
0x66: {  	[sflag:s0] =	ssyncadd.tile.s32 @!p0 $0x1;
	_ =	shalt  }
.Lfunc_end1:
_tile_overlayer_lowered:
.L_overlay_start_2:
0x67: {  	(tag) =	ssettag $0x2  }
0x68: {  	s0 =	rddreg [dreg:$0x0];
	s2 =	stileid.u32  }
0x69: {  	s1 =	rddreg [dreg:$0x1];
	p0 =	sne.s32 s2, $0x0  }
0x6a: {  	s3 =	rddreg [dreg:$0x2];
	[bflag:$0x3] =	sbarrier.arrive $0xFFFF;
	s2 =	simm.s32 @!p0 $0x1C01  }
0x6b: {  	[timem:s3], [sflag:s2] =	dma.local @!p0 [hbm:s0], s1  }
0x6c: {  	s0 =	simm.s32 @!p0 $0x1  }
0x6d: {  	_ =	swait.ge @!p0 [sflag:s0], s1  }
0x6e: {  	s1 =	ssub.s32 @!p0 $0x0, s1;
	[sflag:s0] =	ssyncset.done @!p0 $0x0  }
0x6f: {  	[sflag:s0] =	ssyncadd.s32 @!p0 s1  }
0x70: {  	[bflag:$0x3] =	sbarrier.arrive $0xFFFF  }
0x71: {  	_ =	shalt  }

</sc_bundles>
